<compile_context>
chip_gen: v7x
topology: tpu7x:2x2x1
jax: 0.10.2.dev20260603
libtpu: 0.0.44.dev20260713+nightly
codegen_flags: <defaults>
</compile_context>

<pallas_src>
import functools

import jax
import jax.numpy as jnp
from jax import lax
from jax.experimental import pallas as pl
from jax.experimental.pallas import tpu as pltpu
from jax.experimental.pallas import tpu_sc as plsc

B = 1024
D = 8
V = 100000

_NC = 2
_NS = 16
_NW = _NC * _NS
_B_PER_W = B // _NW

_TV = 2048


@functools.lru_cache(maxsize=1)
def _make_sc_gather():
    mesh = plsc.VectorSubcoreMesh(core_axis_name="c", subcore_axis_name="s")

    n_elems = _B_PER_W * D

    @functools.partial(
        pl.kernel,
        mesh=mesh,
        out_type=jax.ShapeDtypeStruct((D + 1, B), jnp.float32),
        scratch_types=[
            pltpu.VMEM((_B_PER_W,), jnp.int32),
            pltpu.VMEM((n_elems,), jnp.int32),
            pltpu.VMEM((n_elems,), jnp.float32),
            pltpu.VMEM((_B_PER_W,), jnp.float32),
            pltpu.SemaphoreType.DMA,
        ],
        compiler_params=pltpu.CompilerParams(
            use_tc_tiling_on_sc=False, needs_layout_passes=False
        ),
    )
    def sc_gather(tflat_hbm, idx_hbm, out_hbm, idx_v, idx8_v, vals_v,
                  ones_v, sem):
        wid = lax.axis_index("s") * _NC + lax.axis_index("c")
        base = wid * _B_PER_W
        pltpu.sync_copy(idx_hbm.at[pl.ds(base, _B_PER_W)], idx_v)
        lanes = lax.iota(jnp.int32, 16)
        ones = jnp.full((16,), 1.0, jnp.float32)
        ones_v[pl.ds(0, 16)] = ones
        ones_v[pl.ds(16, 16)] = ones
        for c in range(n_elems // 16):
            p = lanes + (16 * c)
            row = lax.bitwise_and(p, _B_PER_W - 1)
            dim = lax.shift_right_logical(p, 5)
            xi = plsc.load_gather(idx_v, [row])
            idx8_v[pl.ds(16 * c, 16)] = xi + dim * V
        pltpu.async_copy(tflat_hbm.at[idx8_v], vals_v, sem).wait()
        for d in range(D):
            pltpu.sync_copy(
                vals_v.at[pl.ds(d * _B_PER_W, _B_PER_W)],
                out_hbm.at[d, pl.ds(base, _B_PER_W)],
            )
        pltpu.sync_copy(ones_v, out_hbm.at[D, pl.ds(base, _B_PER_W)])

    return sc_gather


def _mm_body(w_ref, b_ref, e9_ref, out_ref):
    w9 = jnp.concatenate([w_ref[...], b_ref[...]], axis=0)
    out_ref[...] = lax.dot_general(
        w9,
        e9_ref[...],
        dimension_numbers=(((0,), (0,)), ((), ())),
        preferred_element_type=jnp.float32,
    )


def _tc_project(emb9T, W, b2d):
    return pl.pallas_call(
        _mm_body,
        grid=(pl.cdiv(V, _TV),),
        in_specs=[
            pl.BlockSpec((D, _TV), lambda i: (0, i)),
            pl.BlockSpec((1, _TV), lambda i: (0, i)),
            pl.BlockSpec((D + 1, B), lambda i: (0, 0)),
        ],
        out_specs=pl.BlockSpec((_TV, B), lambda i: (i, 0)),
        out_shape=jax.ShapeDtypeStruct((V, B), jnp.float32),
    )(W, b2d, emb9T)


def kernel(x, E, W, b):
    idx = x.astype(jnp.int32)
    emb9T = _make_sc_gather()(E.T.reshape(-1), idx)
    return _tc_project(emb9T, W, b.reshape(1, V)).T

# --- scband reference (transcript-rebuilt; emitter-appended) ---
"""Pipeline reference for scband-dummy-model-49959059587272 (READ-ONLY COPY).

The authoritative reference and input builder live on the scoring server;
editing this copy changes nothing except your own understanding.
"""

import jax, jax.numpy as jnp
import numpy as np

VOCAB = 100000
EMBED_DIM = 8
BATCH = 1024


def setup_inputs(seed: int = 0) -> dict:
    key = jax.random.key(seed)
    k1, k2, k3, k4 = jax.random.split(key, 4)
    x = jax.random.randint(k1, (BATCH,), 0, VOCAB)
    # Embedding table: nn.Embedding default init is N(0, 1)
    E = jax.random.normal(k2, (VOCAB, EMBED_DIM), dtype=jnp.float32)
    # Linear weight/bias: uniform(-1/sqrt(fan_in), 1/sqrt(fan_in))
    bound = 1.0 / np.sqrt(EMBED_DIM)
    W = jax.random.uniform(k3, (EMBED_DIM, VOCAB), dtype=jnp.float32, minval=-bound, maxval=bound)
    b = jax.random.uniform(k4, (VOCAB,), dtype=jnp.float32, minval=-bound, maxval=bound)
    return {"x": x, "E": E, "W": W, "b": b}


def reference(x, E, W, b):
    # emb = self.embed(x)
    emb = jnp.take(E, x, axis=0)  # [B, 8] gather -> SparseCore embedding lookup
    # return self.linear(emb)
    out = emb @ W + b             # [B, vocab]
    return out

if __name__ == "__main__":
    import jax
    _d = setup_inputs()
    print(jax.jit(kernel)(*tuple(_d.values())))

</pallas_src>

<mosaic_0001>
#map = affine_map<(d0, d1) -> (0)>
#map1 = affine_map<(d0, d1) -> (0, 0)>
module attributes {stable_mosaic.version = 14 : i64} {
  func.func @sc_gather(%arg0: i32, %arg1: i32, %arg2: memref<800000xf32, #tpu.memory_space<hbm>>, %arg3: memref<1024xi32, #tpu.memory_space<hbm>>, %arg4: memref<9x1024xf32, #tpu.memory_space<hbm>>, %arg5: memref<32xi32, #tpu.memory_space<vmem>>, %arg6: memref<256xi32, #tpu.memory_space<vmem>>, %arg7: memref<256xf32, #tpu.memory_space<vmem>>, %arg8: memref<32xf32, #tpu.memory_space<vmem>>, %arg9: memref<!tpu.dma_semaphore, #tpu.memory_space<semaphore_mem>>) attributes {dimension_semantics = [#tpu.dimension_semantics<core_parallel>, #tpu.dimension_semantics<subcore_parallel>], iteration_bounds = array<i64: 2, 16>, scalar_prefetch = 0 : i64, scratch_operands = 5 : i64, tpu.core_type = #tpu.core_type<sc_vector_subcore>, window_params = [{transform_indices = #map}, {transform_indices = #map}, {transform_indices = #map1}]} {
    %mul3A = arith.constant 2 : i32
    %mul3A_0 = arith.muli %arg1, %mul3A : i32
    %add3A = arith.addi %mul3A_0, %arg0 : i32
    %mul3A_1 = arith.constant 32 : i32
    %mul3A_2 = arith.muli %add3A, %mul3A_1 : i32
    "tpu.region"() ({
      %run_scoped3A_270 = tpu.sem_alloc : memref<!tpu.dma_semaphore, #tpu.memory_space<semaphore_mem>>
      %dma_start3A_271 = tpu.memref_slice %arg3[%mul3A_2] : memref<1024xi32, #tpu.memory_space<hbm>> -> memref<32xi32, #tpu.memory_space<hbm>>
      %dma_start3A_272 = tpu.memref_slice %arg3[%mul3A_2] : memref<1024xi32, #tpu.memory_space<hbm>> -> memref<32xi32, #tpu.memory_space<hbm>>
      tpu.enqueue_dma source(%dma_start3A_272 : memref<32xi32, #tpu.memory_space<hbm>>) target(%arg5 : memref<32xi32, #tpu.memory_space<vmem>>) target_semaphore(%run_scoped3A_270 : memref<!tpu.dma_semaphore, #tpu.memory_space<semaphore_mem>>)
      %dma_wait3A_273 = tpu.memref_slice %arg3[%mul3A_2] : memref<1024xi32, #tpu.memory_space<hbm>> -> memref<32xi32, #tpu.memory_space<hbm>>
      %dma_wait3A_274 = tpu.memref_slice %arg3[%mul3A_2] : memref<1024xi32, #tpu.memory_space<hbm>> -> memref<32xi32, #tpu.memory_space<hbm>>
      tpu.wait_dma2 semaphore(%run_scoped3A_270 : memref<!tpu.dma_semaphore, #tpu.memory_space<semaphore_mem>>) src(%dma_wait3A_274 : memref<32xi32, #tpu.memory_space<hbm>>) dst(%arg5 : memref<32xi32, #tpu.memory_space<vmem>>)
      tpu.yield
    }) : () -> ()
    %iota3A = tpu.iota {dimensions = array<i32: 0>} : vector<16xi32>
    %broadcast_in_dim3A = arith.constant 1.000000e+00 : f32
    %broadcast_in_dim3A_3 = vector.broadcast %broadcast_in_dim3A : f32 to vector<16xf32>
    %swap3A = arith.constant 0 : index
    %swap3A_4 = tpu.vector_load %arg8[%swap3A] {strides = array<i32>} : memref<32xf32, #tpu.memory_space<vmem>>, vector<16xf32>,
    tpu.vector_store %arg8[%swap3A], %broadcast_in_dim3A_3 {strides = array<i32>} : memref<32xf32, #tpu.memory_space<vmem>>, vector<16xf32>,
    %swap3A_5 = arith.constant 16 : index
    %swap3A_6 = tpu.vector_load %arg8[%swap3A_5] {strides = array<i32>} : memref<32xf32, #tpu.memory_space<vmem>>, vector<16xf32>,
    tpu.vector_store %arg8[%swap3A_5], %broadcast_in_dim3A_3 {strides = array<i32>} : memref<32xf32, #tpu.memory_space<vmem>>, vector<16xf32>,
    %add3A_7 = arith.constant 0 : i32
    %add3A_8 = vector.broadcast %add3A_7 : i32 to vector<16xi32>
    %add3A_9 = arith.addi %iota3A, %add3A_8 : vector<16xi32>
    %and3A = arith.constant 31 : i32
    %and3A_10 = vector.broadcast %and3A : i32 to vector<16xi32>
    %and3A_11 = arith.andi %add3A_9, %and3A_10 : vector<16xi32>
    %shift_right_logical3A = arith.constant 5 : i32
    %shift_right_logical3A_12 = vector.broadcast %shift_right_logical3A : i32 to vector<16xi32>
    %shift_right_logical3A_13 = arith.shrui %add3A_9, %shift_right_logical3A_12 : vector<16xi32>
    %gather3A = tpu.vector_load_idx %arg5[%and3A_11] : memref<32xi32, #tpu.memory_space<vmem>>[vector<16xi32>], vector<16xi32>,
    %mul3A_14 = arith.constant 100000 : i32
    %mul3A_15 = vector.broadcast %mul3A_14 : i32 to vector<16xi32>
    %mul3A_16 = arith.muli %shift_right_logical3A_13, %mul3A_15 : vector<16xi32>
    %add3A_17 = arith.addi %gather3A, %mul3A_16 : vector<16xi32>
    %swap3A_18 = arith.constant 0 : index
    %swap3A_19 = tpu.vector_load %arg6[%swap3A_18] {strides = array<i32>} : memref<256xi32, #tpu.memory_space<vmem>>, vector<16xi32>,
    tpu.vector_store %arg6[%swap3A_18], %add3A_17 {strides = array<i32>} : memref<256xi32, #tpu.memory_space<vmem>>, vector<16xi32>,
    %add3A_20 = arith.constant 16 : i32
    %add3A_21 = vector.broadcast %add3A_20 : i32 to vector<16xi32>
    %add3A_22 = arith.addi %iota3A, %add3A_21 : vector<16xi32>
    %and3A_23 = arith.constant 31 : i32
    %and3A_24 = vector.broadcast %and3A_23 : i32 to vector<16xi32>
    %and3A_25 = arith.andi %add3A_22, %and3A_24 : vector<16xi32>
    %shift_right_logical3A_26 = arith.constant 5 : i32
    %shift_right_logical3A_27 = vector.broadcast %shift_right_logical3A_26 : i32 to vector<16xi32>
    %shift_right_logical3A_28 = arith.shrui %add3A_22, %shift_right_logical3A_27 : vector<16xi32>
    %gather3A_29 = tpu.vector_load_idx %arg5[%and3A_25] : memref<32xi32, #tpu.memory_space<vmem>>[vector<16xi32>], vector<16xi32>,
    %mul3A_30 = arith.constant 100000 : i32
    %mul3A_31 = vector.broadcast %mul3A_30 : i32 to vector<16xi32>
    %mul3A_32 = arith.muli %shift_right_logical3A_28, %mul3A_31 : vector<16xi32>
    %add3A_33 = arith.addi %gather3A_29, %mul3A_32 : vector<16xi32>
    %swap3A_34 = arith.constant 16 : index
    %swap3A_35 = tpu.vector_load %arg6[%swap3A_34] {strides = array<i32>} : memref<256xi32, #tpu.memory_space<vmem>>, vector<16xi32>,
    tpu.vector_store %arg6[%swap3A_34], %add3A_33 {strides = array<i32>} : memref<256xi32, #tpu.memory_space<vmem>>, vector<16xi32>,
    %add3A_36 = arith.constant 32 : i32
    %add3A_37 = vector.broadcast %add3A_36 : i32 to vector<16xi32>
    %add3A_38 = arith.addi %iota3A, %add3A_37 : vector<16xi32>
    %and3A_39 = arith.constant 31 : i32
    %and3A_40 = vector.broadcast %and3A_39 : i32 to vector<16xi32>
    %and3A_41 = arith.andi %add3A_38, %and3A_40 : vector<16xi32>
    %shift_right_logical3A_42 = arith.constant 5 : i32
    %shift_right_logical3A_43 = vector.broadcast %shift_right_logical3A_42 : i32 to vector<16xi32>
    %shift_right_logical3A_44 = arith.shrui %add3A_38, %shift_right_logical3A_43 : vector<16xi32>
    %gather3A_45 = tpu.vector_load_idx %arg5[%and3A_41] : memref<32xi32, #tpu.memory_space<vmem>>[vector<16xi32>], vector<16xi32>,
    %mul3A_46 = arith.constant 100000 : i32
    %mul3A_47 = vector.broadcast %mul3A_46 : i32 to vector<16xi32>
    %mul3A_48 = arith.muli %shift_right_logical3A_44, %mul3A_47 : vector<16xi32>
    %add3A_49 = arith.addi %gather3A_45, %mul3A_48 : vector<16xi32>
    %swap3A_50 = arith.constant 32 : index
    %swap3A_51 = tpu.vector_load %arg6[%swap3A_50] {strides = array<i32>} : memref<256xi32, #tpu.memory_space<vmem>>, vector<16xi32>,
    tpu.vector_store %arg6[%swap3A_50], %add3A_49 {strides = array<i32>} : memref<256xi32, #tpu.memory_space<vmem>>, vector<16xi32>,
    %add3A_52 = arith.constant 48 : i32
    %add3A_53 = vector.broadcast %add3A_52 : i32 to vector<16xi32>
    %add3A_54 = arith.addi %iota3A, %add3A_53 : vector<16xi32>
    %and3A_55 = arith.constant 31 : i32
    %and3A_56 = vector.broadcast %and3A_55 : i32 to vector<16xi32>
    %and3A_57 = arith.andi %add3A_54, %and3A_56 : vector<16xi32>
    %shift_right_logical3A_58 = arith.constant 5 : i32
    %shift_right_logical3A_59 = vector.broadcast %shift_right_logical3A_58 : i32 to vector<16xi32>
    %shift_right_logical3A_60 = arith.shrui %add3A_54, %shift_right_logical3A_59 : vector<16xi32>
    %gather3A_61 = tpu.vector_load_idx %arg5[%and3A_57] : memref<32xi32, #tpu.memory_space<vmem>>[vector<16xi32>], vector<16xi32>,
    %mul3A_62 = arith.constant 100000 : i32
    %mul3A_63 = vector.broadcast %mul3A_62 : i32 to vector<16xi32>
    %mul3A_64 = arith.muli %shift_right_logical3A_60, %mul3A_63 : vector<16xi32>
    %add3A_65 = arith.addi %gather3A_61, %mul3A_64 : vector<16xi32>
    %swap3A_66 = arith.constant 48 : index
    %swap3A_67 = tpu.vector_load %arg6[%swap3A_66] {strides = array<i32>} : memref<256xi32, #tpu.memory_space<vmem>>, vector<16xi32>,
    tpu.vector_store %arg6[%swap3A_66], %add3A_65 {strides = array<i32>} : memref<256xi32, #tpu.memory_space<vmem>>, vector<16xi32>,
    %add3A_68 = arith.constant 64 : i32
    %add3A_69 = vector.broadcast %add3A_68 : i32 to vector<16xi32>
    %add3A_70 = arith.addi %iota3A, %add3A_69 : vector<16xi32>
    %and3A_71 = arith.constant 31 : i32
    %and3A_72 = vector.broadcast %and3A_71 : i32 to vector<16xi32>
    %and3A_73 = arith.andi %add3A_70, %and3A_72 : vector<16xi32>
    %shift_right_logical3A_74 = arith.constant 5 : i32
    %shift_right_logical3A_75 = vector.broadcast %shift_right_logical3A_74 : i32 to vector<16xi32>
    %shift_right_logical3A_76 = arith.shrui %add3A_70, %shift_right_logical3A_75 : vector<16xi32>
    %gather3A_77 = tpu.vector_load_idx %arg5[%and3A_73] : memref<32xi32, #tpu.memory_space<vmem>>[vector<16xi32>], vector<16xi32>,
    %mul3A_78 = arith.constant 100000 : i32
    %mul3A_79 = vector.broadcast %mul3A_78 : i32 to vector<16xi32>
    %mul3A_80 = arith.muli %shift_right_logical3A_76, %mul3A_79 : vector<16xi32>
    %add3A_81 = arith.addi %gather3A_77, %mul3A_80 : vector<16xi32>
    %swap3A_82 = arith.constant 64 : index
    %swap3A_83 = tpu.vector_load %arg6[%swap3A_82] {strides = array<i32>} : memref<256xi32, #tpu.memory_space<vmem>>, vector<16xi32>,
    tpu.vector_store %arg6[%swap3A_82], %add3A_81 {strides = array<i32>} : memref<256xi32, #tpu.memory_space<vmem>>, vector<16xi32>,
    %add3A_84 = arith.constant 80 : i32
    %add3A_85 = vector.broadcast %add3A_84 : i32 to vector<16xi32>
    %add3A_86 = arith.addi %iota3A, %add3A_85 : vector<16xi32>
    %and3A_87 = arith.constant 31 : i32
    %and3A_88 = vector.broadcast %and3A_87 : i32 to vector<16xi32>
    %and3A_89 = arith.andi %add3A_86, %and3A_88 : vector<16xi32>
    %shift_right_logical3A_90 = arith.constant 5 : i32
    %shift_right_logical3A_91 = vector.broadcast %shift_right_logical3A_90 : i32 to vector<16xi32>
    %shift_right_logical3A_92 = arith.shrui %add3A_86, %shift_right_logical3A_91 : vector<16xi32>
    %gather3A_93 = tpu.vector_load_idx %arg5[%and3A_89] : memref<32xi32, #tpu.memory_space<vmem>>[vector<16xi32>], vector<16xi32>,
    %mul3A_94 = arith.constant 100000 : i32
    %mul3A_95 = vector.broadcast %mul3A_94 : i32 to vector<16xi32>
    %mul3A_96 = arith.muli %shift_right_logical3A_92, %mul3A_95 : vector<16xi32>
    %add3A_97 = arith.addi %gather3A_93, %mul3A_96 : vector<16xi32>
    %swap3A_98 = arith.constant 80 : index
    %swap3A_99 = tpu.vector_load %arg6[%swap3A_98] {strides = array<i32>} : memref<256xi32, #tpu.memory_space<vmem>>, vector<16xi32>,
    tpu.vector_store %arg6[%swap3A_98], %add3A_97 {strides = array<i32>} : memref<256xi32, #tpu.memory_space<vmem>>, vector<16xi32>,
    %add3A_100 = arith.constant 96 : i32
    %add3A_101 = vector.broadcast %add3A_100 : i32 to vector<16xi32>
    %add3A_102 = arith.addi %iota3A, %add3A_101 : vector<16xi32>
    %and3A_103 = arith.constant 31 : i32
    %and3A_104 = vector.broadcast %and3A_103 : i32 to vector<16xi32>
    %and3A_105 = arith.andi %add3A_102, %and3A_104 : vector<16xi32>
    %shift_right_logical3A_106 = arith.constant 5 : i32
    %shift_right_logical3A_107 = vector.broadcast %shift_right_logical3A_106 : i32 to vector<16xi32>
    %shift_right_logical3A_108 = arith.shrui %add3A_102, %shift_right_logical3A_107 : vector<16xi32>
    %gather3A_109 = tpu.vector_load_idx %arg5[%and3A_105] : memref<32xi32, #tpu.memory_space<vmem>>[vector<16xi32>], vector<16xi32>,
    %mul3A_110 = arith.constant 100000 : i32
    %mul3A_111 = vector.broadcast %mul3A_110 : i32 to vector<16xi32>
    %mul3A_112 = arith.muli %shift_right_logical3A_108, %mul3A_111 : vector<16xi32>
    %add3A_113 = arith.addi %gather3A_109, %mul3A_112 : vector<16xi32>
    %swap3A_114 = arith.constant 96 : index
    %swap3A_115 = tpu.vector_load %arg6[%swap3A_114] {strides = array<i32>} : memref<256xi32, #tpu.memory_space<vmem>>, vector<16xi32>,
    tpu.vector_store %arg6[%swap3A_114], %add3A_113 {strides = array<i32>} : memref<256xi32, #tpu.memory_space<vmem>>, vector<16xi32>,
    %add3A_116 = arith.constant 112 : i32
    %add3A_117 = vector.broadcast %add3A_116 : i32 to vector<16xi32>
    %add3A_118 = arith.addi %iota3A, %add3A_117 : vector<16xi32>
    %and3A_119 = arith.constant 31 : i32
    %and3A_120 = vector.broadcast %and3A_119 : i32 to vector<16xi32>
    %and3A_121 = arith.andi %add3A_118, %and3A_120 : vector<16xi32>
    %shift_right_logical3A_122 = arith.constant 5 : i32
    %shift_right_logical3A_123 = vector.broadcast %shift_right_logical3A_122 : i32 to vector<16xi32>
    %shift_right_logical3A_124 = arith.shrui %add3A_118, %shift_right_logical3A_123 : vector<16xi32>
    %gather3A_125 = tpu.vector_load_idx %arg5[%and3A_121] : memref<32xi32, #tpu.memory_space<vmem>>[vector<16xi32>], vector<16xi32>,
    %mul3A_126 = arith.constant 100000 : i32
    %mul3A_127 = vector.broadcast %mul3A_126 : i32 to vector<16xi32>
    %mul3A_128 = arith.muli %shift_right_logical3A_124, %mul3A_127 : vector<16xi32>
    %add3A_129 = arith.addi %gather3A_125, %mul3A_128 : vector<16xi32>
    %swap3A_130 = arith.constant 112 : index
    %swap3A_131 = tpu.vector_load %arg6[%swap3A_130] {strides = array<i32>} : memref<256xi32, #tpu.memory_space<vmem>>, vector<16xi32>,
    tpu.vector_store %arg6[%swap3A_130], %add3A_129 {strides = array<i32>} : memref<256xi32, #tpu.memory_space<vmem>>, vector<16xi32>,
    %add3A_132 = arith.constant 128 : i32
    %add3A_133 = vector.broadcast %add3A_132 : i32 to vector<16xi32>
    %add3A_134 = arith.addi %iota3A, %add3A_133 : vector<16xi32>
    %and3A_135 = arith.constant 31 : i32
    %and3A_136 = vector.broadcast %and3A_135 : i32 to vector<16xi32>
    %and3A_137 = arith.andi %add3A_134, %and3A_136 : vector<16xi32>
    %shift_right_logical3A_138 = arith.constant 5 : i32
    %shift_right_logical3A_139 = vector.broadcast %shift_right_logical3A_138 : i32 to vector<16xi32>
    %shift_right_logical3A_140 = arith.shrui %add3A_134, %shift_right_logical3A_139 : vector<16xi32>
    %gather3A_141 = tpu.vector_load_idx %arg5[%and3A_137] : memref<32xi32, #tpu.memory_space<vmem>>[vector<16xi32>], vector<16xi32>,
    %mul3A_142 = arith.constant 100000 : i32
    %mul3A_143 = vector.broadcast %mul3A_142 : i32 to vector<16xi32>
    %mul3A_144 = arith.muli %shift_right_logical3A_140, %mul3A_143 : vector<16xi32>
    %add3A_145 = arith.addi %gather3A_141, %mul3A_144 : vector<16xi32>
    %swap3A_146 = arith.constant 128 : index
    %swap3A_147 = tpu.vector_load %arg6[%swap3A_146] {strides = array<i32>} : memref<256xi32, #tpu.memory_space<vmem>>, vector<16xi32>,
    tpu.vector_store %arg6[%swap3A_146], %add3A_145 {strides = array<i32>} : memref<256xi32, #tpu.memory_space<vmem>>, vector<16xi32>,
    %add3A_148 = arith.constant 144 : i32
    %add3A_149 = vector.broadcast %add3A_148 : i32 to vector<16xi32>
    %add3A_150 = arith.addi %iota3A, %add3A_149 : vector<16xi32>
    %and3A_151 = arith.constant 31 : i32
    %and3A_152 = vector.broadcast %and3A_151 : i32 to vector<16xi32>
    %and3A_153 = arith.andi %add3A_150, %and3A_152 : vector<16xi32>
    %shift_right_logical3A_154 = arith.constant 5 : i32
    %shift_right_logical3A_155 = vector.broadcast %shift_right_logical3A_154 : i32 to vector<16xi32>
    %shift_right_logical3A_156 = arith.shrui %add3A_150, %shift_right_logical3A_155 : vector<16xi32>
    %gather3A_157 = tpu.vector_load_idx %arg5[%and3A_153] : memref<32xi32, #tpu.memory_space<vmem>>[vector<16xi32>], vector<16xi32>,
    %mul3A_158 = arith.constant 100000 : i32
    %mul3A_159 = vector.broadcast %mul3A_158 : i32 to vector<16xi32>
    %mul3A_160 = arith.muli %shift_right_logical3A_156, %mul3A_159 : vector<16xi32>
    %add3A_161 = arith.addi %gather3A_157, %mul3A_160 : vector<16xi32>
    %swap3A_162 = arith.constant 144 : index
    %swap3A_163 = tpu.vector_load %arg6[%swap3A_162] {strides = array<i32>} : memref<256xi32, #tpu.memory_space<vmem>>, vector<16xi32>,
    tpu.vector_store %arg6[%swap3A_162], %add3A_161 {strides = array<i32>} : memref<256xi32, #tpu.memory_space<vmem>>, vector<16xi32>,
    %add3A_164 = arith.constant 160 : i32
    %add3A_165 = vector.broadcast %add3A_164 : i32 to vector<16xi32>
    %add3A_166 = arith.addi %iota3A, %add3A_165 : vector<16xi32>
    %and3A_167 = arith.constant 31 : i32
    %and3A_168 = vector.broadcast %and3A_167 : i32 to vector<16xi32>
    %and3A_169 = arith.andi %add3A_166, %and3A_168 : vector<16xi32>
    %shift_right_logical3A_170 = arith.constant 5 : i32
    %shift_right_logical3A_171 = vector.broadcast %shift_right_logical3A_170 : i32 to vector<16xi32>
    %shift_right_logical3A_172 = arith.shrui %add3A_166, %shift_right_logical3A_171 : vector<16xi32>
    %gather3A_173 = tpu.vector_load_idx %arg5[%and3A_169] : memref<32xi32, #tpu.memory_space<vmem>>[vector<16xi32>], vector<16xi32>,
    %mul3A_174 = arith.constant 100000 : i32
    %mul3A_175 = vector.broadcast %mul3A_174 : i32 to vector<16xi32>
    %mul3A_176 = arith.muli %shift_right_logical3A_172, %mul3A_175 : vector<16xi32>
    %add3A_177 = arith.addi %gather3A_173, %mul3A_176 : vector<16xi32>
    %swap3A_178 = arith.constant 160 : index
    %swap3A_179 = tpu.vector_load %arg6[%swap3A_178] {strides = array<i32>} : memref<256xi32, #tpu.memory_space<vmem>>, vector<16xi32>,
    tpu.vector_store %arg6[%swap3A_178], %add3A_177 {strides = array<i32>} : memref<256xi32, #tpu.memory_space<vmem>>, vector<16xi32>,
    %add3A_180 = arith.constant 176 : i32
    %add3A_181 = vector.broadcast %add3A_180 : i32 to vector<16xi32>
    %add3A_182 = arith.addi %iota3A, %add3A_181 : vector<16xi32>
    %and3A_183 = arith.constant 31 : i32
    %and3A_184 = vector.broadcast %and3A_183 : i32 to vector<16xi32>
    %and3A_185 = arith.andi %add3A_182, %and3A_184 : vector<16xi32>
    %shift_right_logical3A_186 = arith.constant 5 : i32
    %shift_right_logical3A_187 = vector.broadcast %shift_right_logical3A_186 : i32 to vector<16xi32>
    %shift_right_logical3A_188 = arith.shrui %add3A_182, %shift_right_logical3A_187 : vector<16xi32>
    %gather3A_189 = tpu.vector_load_idx %arg5[%and3A_185] : memref<32xi32, #tpu.memory_space<vmem>>[vector<16xi32>], vector<16xi32>,
    %mul3A_190 = arith.constant 100000 : i32
    %mul3A_191 = vector.broadcast %mul3A_190 : i32 to vector<16xi32>
    %mul3A_192 = arith.muli %shift_right_logical3A_188, %mul3A_191 : vector<16xi32>
    %add3A_193 = arith.addi %gather3A_189, %mul3A_192 : vector<16xi32>
    %swap3A_194 = arith.constant 176 : index
    %swap3A_195 = tpu.vector_load %arg6[%swap3A_194] {strides = array<i32>} : memref<256xi32, #tpu.memory_space<vmem>>, vector<16xi32>,
    tpu.vector_store %arg6[%swap3A_194], %add3A_193 {strides = array<i32>} : memref<256xi32, #tpu.memory_space<vmem>>, vector<16xi32>,
    %add3A_196 = arith.constant 192 : i32
    %add3A_197 = vector.broadcast %add3A_196 : i32 to vector<16xi32>
    %add3A_198 = arith.addi %iota3A, %add3A_197 : vector<16xi32>
    %and3A_199 = arith.constant 31 : i32
    %and3A_200 = vector.broadcast %and3A_199 : i32 to vector<16xi32>
    %and3A_201 = arith.andi %add3A_198, %and3A_200 : vector<16xi32>
    %shift_right_logical3A_202 = arith.constant 5 : i32
    %shift_right_logical3A_203 = vector.broadcast %shift_right_logical3A_202 : i32 to vector<16xi32>
    %shift_right_logical3A_204 = arith.shrui %add3A_198, %shift_right_logical3A_203 : vector<16xi32>
    %gather3A_205 = tpu.vector_load_idx %arg5[%and3A_201] : memref<32xi32, #tpu.memory_space<vmem>>[vector<16xi32>], vector<16xi32>,
    %mul3A_206 = arith.constant 100000 : i32
    %mul3A_207 = vector.broadcast %mul3A_206 : i32 to vector<16xi32>
    %mul3A_208 = arith.muli %shift_right_logical3A_204, %mul3A_207 : vector<16xi32>
    %add3A_209 = arith.addi %gather3A_205, %mul3A_208 : vector<16xi32>
    %swap3A_210 = arith.constant 192 : index
    %swap3A_211 = tpu.vector_load %arg6[%swap3A_210] {strides = array<i32>} : memref<256xi32, #tpu.memory_space<vmem>>, vector<16xi32>,
    tpu.vector_store %arg6[%swap3A_210], %add3A_209 {strides = array<i32>} : memref<256xi32, #tpu.memory_space<vmem>>, vector<16xi32>,
    %add3A_212 = arith.constant 208 : i32
    %add3A_213 = vector.broadcast %add3A_212 : i32 to vector<16xi32>
    %add3A_214 = arith.addi %iota3A, %add3A_213 : vector<16xi32>
    %and3A_215 = arith.constant 31 : i32
    %and3A_216 = vector.broadcast %and3A_215 : i32 to vector<16xi32>
    %and3A_217 = arith.andi %add3A_214, %and3A_216 : vector<16xi32>
    %shift_right_logical3A_218 = arith.constant 5 : i32
    %shift_right_logical3A_219 = vector.broadcast %shift_right_logical3A_218 : i32 to vector<16xi32>
    %shift_right_logical3A_220 = arith.shrui %add3A_214, %shift_right_logical3A_219 : vector<16xi32>
    %gather3A_221 = tpu.vector_load_idx %arg5[%and3A_217] : memref<32xi32, #tpu.memory_space<vmem>>[vector<16xi32>], vector<16xi32>,
    %mul3A_222 = arith.constant 100000 : i32
    %mul3A_223 = vector.broadcast %mul3A_222 : i32 to vector<16xi32>
    %mul3A_224 = arith.muli %shift_right_logical3A_220, %mul3A_223 : vector<16xi32>
    %add3A_225 = arith.addi %gather3A_221, %mul3A_224 : vector<16xi32>
    %swap3A_226 = arith.constant 208 : index
    %swap3A_227 = tpu.vector_load %arg6[%swap3A_226] {strides = array<i32>} : memref<256xi32, #tpu.memory_space<vmem>>, vector<16xi32>,
    tpu.vector_store %arg6[%swap3A_226], %add3A_225 {strides = array<i32>} : memref<256xi32, #tpu.memory_space<vmem>>, vector<16xi32>,
    %add3A_228 = arith.constant 224 : i32
    %add3A_229 = vector.broadcast %add3A_228 : i32 to vector<16xi32>
    %add3A_230 = arith.addi %iota3A, %add3A_229 : vector<16xi32>
    %and3A_231 = arith.constant 31 : i32
    %and3A_232 = vector.broadcast %and3A_231 : i32 to vector<16xi32>
    %and3A_233 = arith.andi %add3A_230, %and3A_232 : vector<16xi32>
    %shift_right_logical3A_234 = arith.constant 5 : i32
    %shift_right_logical3A_235 = vector.broadcast %shift_right_logical3A_234 : i32 to vector<16xi32>
    %shift_right_logical3A_236 = arith.shrui %add3A_230, %shift_right_logical3A_235 : vector<16xi32>
    %gather3A_237 = tpu.vector_load_idx %arg5[%and3A_233] : memref<32xi32, #tpu.memory_space<vmem>>[vector<16xi32>], vector<16xi32>,
    %mul3A_238 = arith.constant 100000 : i32
    %mul3A_239 = vector.broadcast %mul3A_238 : i32 to vector<16xi32>
    %mul3A_240 = arith.muli %shift_right_logical3A_236, %mul3A_239 : vector<16xi32>
    %add3A_241 = arith.addi %gather3A_237, %mul3A_240 : vector<16xi32>
    %swap3A_242 = arith.constant 224 : index
    %swap3A_243 = tpu.vector_load %arg6[%swap3A_242] {strides = array<i32>} : memref<256xi32, #tpu.memory_space<vmem>>, vector<16xi32>,
    tpu.vector_store %arg6[%swap3A_242], %add3A_241 {strides = array<i32>} : memref<256xi32, #tpu.memory_space<vmem>>, vector<16xi32>,
    %add3A_244 = arith.constant 240 : i32
    %add3A_245 = vector.broadcast %add3A_244 : i32 to vector<16xi32>
    %add3A_246 = arith.addi %iota3A, %add3A_245 : vector<16xi32>
    %and3A_247 = arith.constant 31 : i32
    %and3A_248 = vector.broadcast %and3A_247 : i32 to vector<16xi32>
    %and3A_249 = arith.andi %add3A_246, %and3A_248 : vector<16xi32>
    %shift_right_logical3A_250 = arith.constant 5 : i32
    %shift_right_logical3A_251 = vector.broadcast %shift_right_logical3A_250 : i32 to vector<16xi32>
    %shift_right_logical3A_252 = arith.shrui %add3A_246, %shift_right_logical3A_251 : vector<16xi32>
    %gather3A_253 = tpu.vector_load_idx %arg5[%and3A_249] : memref<32xi32, #tpu.memory_space<vmem>>[vector<16xi32>], vector<16xi32>,
    %mul3A_254 = arith.constant 100000 : i32
    %mul3A_255 = vector.broadcast %mul3A_254 : i32 to vector<16xi32>
    %mul3A_256 = arith.muli %shift_right_logical3A_252, %mul3A_255 : vector<16xi32>
    %add3A_257 = arith.addi %gather3A_253, %mul3A_256 : vector<16xi32>
    %swap3A_258 = arith.constant 240 : index
    %swap3A_259 = tpu.vector_load %arg6[%swap3A_258] {strides = array<i32>} : memref<256xi32, #tpu.memory_space<vmem>>, vector<16xi32>,
    tpu.vector_store %arg6[%swap3A_258], %add3A_257 {strides = array<i32>} : memref<256xi32, #tpu.memory_space<vmem>>, vector<16xi32>,
    %dma_start3A = arith.constant 0 : i32
    %dma_start3A_260 = tpu.memref_slice %arg2[%dma_start3A] : memref<800000xf32, #tpu.memory_space<hbm>> -> memref<800000xf32, #tpu.memory_space<hbm>>
    tpu.enqueue_indirect_dma source(%dma_start3A_260 : memref<800000xf32, #tpu.memory_space<hbm>>) target(%arg7 : memref<256xf32, #tpu.memory_space<vmem>>) offsets(%arg6 : memref<256xi32, #tpu.memory_space<vmem>>) semaphore(%arg9 : memref<!tpu.dma_semaphore, #tpu.memory_space<semaphore_mem>>)
    %dma_wait3A = arith.constant 0 : i32
    %dma_wait3A_261 = tpu.memref_slice %arg2[%dma_wait3A] : memref<800000xf32, #tpu.memory_space<hbm>> -> memref<800000xf32, #tpu.memory_space<hbm>>
    tpu.wait_indirect_dma semaphore(%arg9 : memref<!tpu.dma_semaphore, #tpu.memory_space<semaphore_mem>>) src(%dma_wait3A_261 : memref<800000xf32, #tpu.memory_space<hbm>>) dst(%arg7 : memref<256xf32, #tpu.memory_space<vmem>>)
    %run_scoped3A = arith.constant 0 : i32
    "tpu.region"() ({
      %run_scoped3A_270 = tpu.sem_alloc : memref<!tpu.dma_semaphore, #tpu.memory_space<semaphore_mem>>
      %dma_start3A_271 = arith.constant 0 : i32
      %dma_start3A_272 = tpu.memref_slice %arg7[%dma_start3A_271] : memref<256xf32, #tpu.memory_space<vmem>> -> memref<32xf32, #tpu.memory_space<vmem>>
      %dma_start3A_273 = tpu.memref_slice %arg4[%run_scoped3A, %mul3A_2] : memref<9x1024xf32, #tpu.memory_space<hbm>> -> memref<1x32xf32, #tpu.memory_space<hbm>>
      %dma_start3A_274 = tpu.memref_squeeze %dma_start3A_273 : memref<1x32xf32, #tpu.memory_space<hbm>> -> memref<32xf32, #tpu.memory_space<hbm>>
      %dma_start3A_275 = tpu.memref_slice %arg4[%run_scoped3A, %mul3A_2] : memref<9x1024xf32, #tpu.memory_space<hbm>> -> memref<1x32xf32, #tpu.memory_space<hbm>>
      %dma_start3A_276 = tpu.memref_squeeze %dma_start3A_275 : memref<1x32xf32, #tpu.memory_space<hbm>> -> memref<32xf32, #tpu.memory_space<hbm>>
      %dma_start3A_277 = arith.constant 0 : i32
      %dma_start3A_278 = tpu.memref_slice %arg7[%dma_start3A_277] : memref<256xf32, #tpu.memory_space<vmem>> -> memref<32xf32, #tpu.memory_space<vmem>>
      tpu.enqueue_dma source(%dma_start3A_278 : memref<32xf32, #tpu.memory_space<vmem>>) target(%dma_start3A_276 : memref<32xf32, #tpu.memory_space<hbm>>) target_semaphore(%run_scoped3A_270 : memref<!tpu.dma_semaphore, #tpu.memory_space<semaphore_mem>>)
      %dma_wait3A_279 = arith.constant 0 : i32
      %dma_wait3A_280 = tpu.memref_slice %arg7[%dma_wait3A_279] : memref<256xf32, #tpu.memory_space<vmem>> -> memref<32xf32, #tpu.memory_space<vmem>>
      %dma_wait3A_281 = tpu.memref_slice %arg4[%run_scoped3A, %mul3A_2] : memref<9x1024xf32, #tpu.memory_space<hbm>> -> memref<1x32xf32, #tpu.memory_space<hbm>>
      %dma_wait3A_282 = tpu.memref_squeeze %dma_wait3A_281 : memref<1x32xf32, #tpu.memory_space<hbm>> -> memref<32xf32, #tpu.memory_space<hbm>>
      %dma_wait3A_283 = tpu.memref_slice %arg4[%run_scoped3A, %mul3A_2] : memref<9x1024xf32, #tpu.memory_space<hbm>> -> memref<1x32xf32, #tpu.memory_space<hbm>>
      %dma_wait3A_284 = tpu.memref_squeeze %dma_wait3A_283 : memref<1x32xf32, #tpu.memory_space<hbm>> -> memref<32xf32, #tpu.memory_space<hbm>>
      %dma_wait3A_285 = arith.constant 0 : i32
      %dma_wait3A_286 = tpu.memref_slice %arg7[%dma_wait3A_285] : memref<256xf32, #tpu.memory_space<vmem>> -> memref<32xf32, #tpu.memory_space<vmem>>
      tpu.wait_dma2 semaphore(%run_scoped3A_270 : memref<!tpu.dma_semaphore, #tpu.memory_space<semaphore_mem>>) src(%dma_wait3A_286 : memref<32xf32, #tpu.memory_space<vmem>>) dst(%dma_wait3A_284 : memref<32xf32, #tpu.memory_space<hbm>>)
      tpu.yield
    }) : () -> ()
    %run_scoped3A_262 = arith.constant 1 : i32
    "tpu.region"() ({
      %run_scoped3A_270 = tpu.sem_alloc : memref<!tpu.dma_semaphore, #tpu.memory_space<semaphore_mem>>
      %dma_start3A_271 = arith.constant 32 : i32
      %dma_start3A_272 = tpu.memref_slice %arg7[%dma_start3A_271] : memref<256xf32, #tpu.memory_space<vmem>> -> memref<32xf32, #tpu.memory_space<vmem>>
      %dma_start3A_273 = tpu.memref_slice %arg4[%run_scoped3A_262, %mul3A_2] : memref<9x1024xf32, #tpu.memory_space<hbm>> -> memref<1x32xf32, #tpu.memory_space<hbm>>
      %dma_start3A_274 = tpu.memref_squeeze %dma_start3A_273 : memref<1x32xf32, #tpu.memory_space<hbm>> -> memref<32xf32, #tpu.memory_space<hbm>>
      %dma_start3A_275 = tpu.memref_slice %arg4[%run_scoped3A_262, %mul3A_2] : memref<9x1024xf32, #tpu.memory_space<hbm>> -> memref<1x32xf32, #tpu.memory_space<hbm>>
      %dma_start3A_276 = tpu.memref_squeeze %dma_start3A_275 : memref<1x32xf32, #tpu.memory_space<hbm>> -> memref<32xf32, #tpu.memory_space<hbm>>
      %dma_start3A_277 = arith.constant 32 : i32
      %dma_start3A_278 = tpu.memref_slice %arg7[%dma_start3A_277] : memref<256xf32, #tpu.memory_space<vmem>> -> memref<32xf32, #tpu.memory_space<vmem>>
      tpu.enqueue_dma source(%dma_start3A_278 : memref<32xf32, #tpu.memory_space<vmem>>) target(%dma_start3A_276 : memref<32xf32, #tpu.memory_space<hbm>>) target_semaphore(%run_scoped3A_270 : memref<!tpu.dma_semaphore, #tpu.memory_space<semaphore_mem>>)
      %dma_wait3A_279 = arith.constant 32 : i32
      %dma_wait3A_280 = tpu.memref_slice %arg7[%dma_wait3A_279] : memref<256xf32, #tpu.memory_space<vmem>> -> memref<32xf32, #tpu.memory_space<vmem>>
      %dma_wait3A_281 = tpu.memref_slice %arg4[%run_scoped3A_262, %mul3A_2] : memref<9x1024xf32, #tpu.memory_space<hbm>> -> memref<1x32xf32, #tpu.memory_space<hbm>>
      %dma_wait3A_282 = tpu.memref_squeeze %dma_wait3A_281 : memref<1x32xf32, #tpu.memory_space<hbm>> -> memref<32xf32, #tpu.memory_space<hbm>>
      %dma_wait3A_283 = tpu.memref_slice %arg4[%run_scoped3A_262, %mul3A_2] : memref<9x1024xf32, #tpu.memory_space<hbm>> -> memref<1x32xf32, #tpu.memory_space<hbm>>
      %dma_wait3A_284 = tpu.memref_squeeze %dma_wait3A_283 : memref<1x32xf32, #tpu.memory_space<hbm>> -> memref<32xf32, #tpu.memory_space<hbm>>
      %dma_wait3A_285 = arith.constant 32 : i32
      %dma_wait3A_286 = tpu.memref_slice %arg7[%dma_wait3A_285] : memref<256xf32, #tpu.memory_space<vmem>> -> memref<32xf32, #tpu.memory_space<vmem>>
      tpu.wait_dma2 semaphore(%run_scoped3A_270 : memref<!tpu.dma_semaphore, #tpu.memory_space<semaphore_mem>>) src(%dma_wait3A_286 : memref<32xf32, #tpu.memory_space<vmem>>) dst(%dma_wait3A_284 : memref<32xf32, #tpu.memory_space<hbm>>)
      tpu.yield
    }) : () -> ()
    %run_scoped3A_263 = arith.constant 2 : i32
    "tpu.region"() ({
      %run_scoped3A_270 = tpu.sem_alloc : memref<!tpu.dma_semaphore, #tpu.memory_space<semaphore_mem>>
      %dma_start3A_271 = arith.constant 64 : i32
      %dma_start3A_272 = tpu.memref_slice %arg7[%dma_start3A_271] : memref<256xf32, #tpu.memory_space<vmem>> -> memref<32xf32, #tpu.memory_space<vmem>>
      %dma_start3A_273 = tpu.memref_slice %arg4[%run_scoped3A_263, %mul3A_2] : memref<9x1024xf32, #tpu.memory_space<hbm>> -> memref<1x32xf32, #tpu.memory_space<hbm>>
      %dma_start3A_274 = tpu.memref_squeeze %dma_start3A_273 : memref<1x32xf32, #tpu.memory_space<hbm>> -> memref<32xf32, #tpu.memory_space<hbm>>
      %dma_start3A_275 = tpu.memref_slice %arg4[%run_scoped3A_263, %mul3A_2] : memref<9x1024xf32, #tpu.memory_space<hbm>> -> memref<1x32xf32, #tpu.memory_space<hbm>>
      %dma_start3A_276 = tpu.memref_squeeze %dma_start3A_275 : memref<1x32xf32, #tpu.memory_space<hbm>> -> memref<32xf32, #tpu.memory_space<hbm>>
      %dma_start3A_277 = arith.constant 64 : i32
      %dma_start3A_278 = tpu.memref_slice %arg7[%dma_start3A_277] : memref<256xf32, #tpu.memory_space<vmem>> -> memref<32xf32, #tpu.memory_space<vmem>>
      tpu.enqueue_dma source(%dma_start3A_278 : memref<32xf32, #tpu.memory_space<vmem>>) target(%dma_start3A_276 : memref<32xf32, #tpu.memory_space<hbm>>) target_semaphore(%run_scoped3A_270 : memref<!tpu.dma_semaphore, #tpu.memory_space<semaphore_mem>>)
      %dma_wait3A_279 = arith.constant 64 : i32
      %dma_wait3A_280 = tpu.memref_slice %arg7[%dma_wait3A_279] : memref<256xf32, #tpu.memory_space<vmem>> -> memref<32xf32, #tpu.memory_space<vmem>>
      %dma_wait3A_281 = tpu.memref_slice %arg4[%run_scoped3A_263, %mul3A_2] : memref<9x1024xf32, #tpu.memory_space<hbm>> -> memref<1x32xf32, #tpu.memory_space<hbm>>
      %dma_wait3A_282 = tpu.memref_squeeze %dma_wait3A_281 : memref<1x32xf32, #tpu.memory_space<hbm>> -> memref<32xf32, #tpu.memory_space<hbm>>
      %dma_wait3A_283 = tpu.memref_slice %arg4[%run_scoped3A_263, %mul3A_2] : memref<9x1024xf32, #tpu.memory_space<hbm>> -> memref<1x32xf32, #tpu.memory_space<hbm>>
      %dma_wait3A_284 = tpu.memref_squeeze %dma_wait3A_283 : memref<1x32xf32, #tpu.memory_space<hbm>> -> memref<32xf32, #tpu.memory_space<hbm>>
      %dma_wait3A_285 = arith.constant 64 : i32
      %dma_wait3A_286 = tpu.memref_slice %arg7[%dma_wait3A_285] : memref<256xf32, #tpu.memory_space<vmem>> -> memref<32xf32, #tpu.memory_space<vmem>>
      tpu.wait_dma2 semaphore(%run_scoped3A_270 : memref<!tpu.dma_semaphore, #tpu.memory_space<semaphore_mem>>) src(%dma_wait3A_286 : memref<32xf32, #tpu.memory_space<vmem>>) dst(%dma_wait3A_284 : memref<32xf32, #tpu.memory_space<hbm>>)
      tpu.yield
    }) : () -> ()
    %run_scoped3A_264 = arith.constant 3 : i32
    "tpu.region"() ({
      %run_scoped3A_270 = tpu.sem_alloc : memref<!tpu.dma_semaphore, #tpu.memory_space<semaphore_mem>>
      %dma_start3A_271 = arith.constant 96 : i32
      %dma_start3A_272 = tpu.memref_slice %arg7[%dma_start3A_271] : memref<256xf32, #tpu.memory_space<vmem>> -> memref<32xf32, #tpu.memory_space<vmem>>
      %dma_start3A_273 = tpu.memref_slice %arg4[%run_scoped3A_264, %mul3A_2] : memref<9x1024xf32, #tpu.memory_space<hbm>> -> memref<1x32xf32, #tpu.memory_space<hbm>>
      %dma_start3A_274 = tpu.memref_squeeze %dma_start3A_273 : memref<1x32xf32, #tpu.memory_space<hbm>> -> memref<32xf32, #tpu.memory_space<hbm>>
      %dma_start3A_275 = tpu.memref_slice %arg4[%run_scoped3A_264, %mul3A_2] : memref<9x1024xf32, #tpu.memory_space<hbm>> -> memref<1x32xf32, #tpu.memory_space<hbm>>
      %dma_start3A_276 = tpu.memref_squeeze %dma_start3A_275 : memref<1x32xf32, #tpu.memory_space<hbm>> -> memref<32xf32, #tpu.memory_space<hbm>>
      %dma_start3A_277 = arith.constant 96 : i32
      %dma_start3A_278 = tpu.memref_slice %arg7[%dma_start3A_277] : memref<256xf32, #tpu.memory_space<vmem>> -> memref<32xf32, #tpu.memory_space<vmem>>
      tpu.enqueue_dma source(%dma_start3A_278 : memref<32xf32, #tpu.memory_space<vmem>>) target(%dma_start3A_276 : memref<32xf32, #tpu.memory_space<hbm>>) target_semaphore(%run_scoped3A_270 : memref<!tpu.dma_semaphore, #tpu.memory_space<semaphore_mem>>)
      %dma_wait3A_279 = arith.constant 96 : i32
      %dma_wait3A_280 = tpu.memref_slice %arg7[%dma_wait3A_279] : memref<256xf32, #tpu.memory_space<vmem>> -> memref<32xf32, #tpu.memory_space<vmem>>
      %dma_wait3A_281 = tpu.memref_slice %arg4[%run_scoped3A_264, %mul3A_2] : memref<9x1024xf32, #tpu.memory_space<hbm>> -> memref<1x32xf32, #tpu.memory_space<hbm>>
      %dma_wait3A_282 = tpu.memref_squeeze %dma_wait3A_281 : memref<1x32xf32, #tpu.memory_space<hbm>> -> memref<32xf32, #tpu.memory_space<hbm>>
      %dma_wait3A_283 = tpu.memref_slice %arg4[%run_scoped3A_264, %mul3A_2] : memref<9x1024xf32, #tpu.memory_space<hbm>> -> memref<1x32xf32, #tpu.memory_space<hbm>>
      %dma_wait3A_284 = tpu.memref_squeeze %dma_wait3A_283 : memref<1x32xf32, #tpu.memory_space<hbm>> -> memref<32xf32, #tpu.memory_space<hbm>>
      %dma_wait3A_285 = arith.constant 96 : i32
      %dma_wait3A_286 = tpu.memref_slice %arg7[%dma_wait3A_285] : memref<256xf32, #tpu.memory_space<vmem>> -> memref<32xf32, #tpu.memory_space<vmem>>
      tpu.wait_dma2 semaphore(%run_scoped3A_270 : memref<!tpu.dma_semaphore, #tpu.memory_space<semaphore_mem>>) src(%dma_wait3A_286 : memref<32xf32, #tpu.memory_space<vmem>>) dst(%dma_wait3A_284 : memref<32xf32, #tpu.memory_space<hbm>>)
      tpu.yield
    }) : () -> ()
    %run_scoped3A_265 = arith.constant 4 : i32
    "tpu.region"() ({
      %run_scoped3A_270 = tpu.sem_alloc : memref<!tpu.dma_semaphore, #tpu.memory_space<semaphore_mem>>
      %dma_start3A_271 = arith.constant 128 : i32
      %dma_start3A_272 = tpu.memref_slice %arg7[%dma_start3A_271] : memref<256xf32, #tpu.memory_space<vmem>> -> memref<32xf32, #tpu.memory_space<vmem>>
      %dma_start3A_273 = tpu.memref_slice %arg4[%run_scoped3A_265, %mul3A_2] : memref<9x1024xf32, #tpu.memory_space<hbm>> -> memref<1x32xf32, #tpu.memory_space<hbm>>
      %dma_start3A_274 = tpu.memref_squeeze %dma_start3A_273 : memref<1x32xf32, #tpu.memory_space<hbm>> -> memref<32xf32, #tpu.memory_space<hbm>>
      %dma_start3A_275 = tpu.memref_slice %arg4[%run_scoped3A_265, %mul3A_2] : memref<9x1024xf32, #tpu.memory_space<hbm>> -> memref<1x32xf32, #tpu.memory_space<hbm>>
      %dma_start3A_276 = tpu.memref_squeeze %dma_start3A_275 : memref<1x32xf32, #tpu.memory_space<hbm>> -> memref<32xf32, #tpu.memory_space<hbm>>
      %dma_start3A_277 = arith.constant 128 : i32
      %dma_start3A_278 = tpu.memref_slice %arg7[%dma_start3A_277] : memref<256xf32, #tpu.memory_space<vmem>> -> memref<32xf32, #tpu.memory_space<vmem>>
      tpu.enqueue_dma source(%dma_start3A_278 : memref<32xf32, #tpu.memory_space<vmem>>) target(%dma_start3A_276 : memref<32xf32, #tpu.memory_space<hbm>>) target_semaphore(%run_scoped3A_270 : memref<!tpu.dma_semaphore, #tpu.memory_space<semaphore_mem>>)
      %dma_wait3A_279 = arith.constant 128 : i32
      %dma_wait3A_280 = tpu.memref_slice %arg7[%dma_wait3A_279] : memref<256xf32, #tpu.memory_space<vmem>> -> memref<32xf32, #tpu.memory_space<vmem>>
      %dma_wait3A_281 = tpu.memref_slice %arg4[%run_scoped3A_265, %mul3A_2] : memref<9x1024xf32, #tpu.memory_space<hbm>> -> memref<1x32xf32, #tpu.memory_space<hbm>>
      %dma_wait3A_282 = tpu.memref_squeeze %dma_wait3A_281 : memref<1x32xf32, #tpu.memory_space<hbm>> -> memref<32xf32, #tpu.memory_space<hbm>>
      %dma_wait3A_283 = tpu.memref_slice %arg4[%run_scoped3A_265, %mul3A_2] : memref<9x1024xf32, #tpu.memory_space<hbm>> -> memref<1x32xf32, #tpu.memory_space<hbm>>
      %dma_wait3A_284 = tpu.memref_squeeze %dma_wait3A_283 : memref<1x32xf32, #tpu.memory_space<hbm>> -> memref<32xf32, #tpu.memory_space<hbm>>
      %dma_wait3A_285 = arith.constant 128 : i32
      %dma_wait3A_286 = tpu.memref_slice %arg7[%dma_wait3A_285] : memref<256xf32, #tpu.memory_space<vmem>> -> memref<32xf32, #tpu.memory_space<vmem>>
      tpu.wait_dma2 semaphore(%run_scoped3A_270 : memref<!tpu.dma_semaphore, #tpu.memory_space<semaphore_mem>>) src(%dma_wait3A_286 : memref<32xf32, #tpu.memory_space<vmem>>) dst(%dma_wait3A_284 : memref<32xf32, #tpu.memory_space<hbm>>)
      tpu.yield
    }) : () -> ()
    %run_scoped3A_266 = arith.constant 5 : i32
    "tpu.region"() ({
      %run_scoped3A_270 = tpu.sem_alloc : memref<!tpu.dma_semaphore, #tpu.memory_space<semaphore_mem>>
      %dma_start3A_271 = arith.constant 160 : i32
      %dma_start3A_272 = tpu.memref_slice %arg7[%dma_start3A_271] : memref<256xf32, #tpu.memory_space<vmem>> -> memref<32xf32, #tpu.memory_space<vmem>>
      %dma_start3A_273 = tpu.memref_slice %arg4[%run_scoped3A_266, %mul3A_2] : memref<9x1024xf32, #tpu.memory_space<hbm>> -> memref<1x32xf32, #tpu.memory_space<hbm>>
      %dma_start3A_274 = tpu.memref_squeeze %dma_start3A_273 : memref<1x32xf32, #tpu.memory_space<hbm>> -> memref<32xf32, #tpu.memory_space<hbm>>
      %dma_start3A_275 = tpu.memref_slice %arg4[%run_scoped3A_266, %mul3A_2] : memref<9x1024xf32, #tpu.memory_space<hbm>> -> memref<1x32xf32, #tpu.memory_space<hbm>>
      %dma_start3A_276 = tpu.memref_squeeze %dma_start3A_275 : memref<1x32xf32, #tpu.memory_space<hbm>> -> memref<32xf32, #tpu.memory_space<hbm>>
      %dma_start3A_277 = arith.constant 160 : i32
      %dma_start3A_278 = tpu.memref_slice %arg7[%dma_start3A_277] : memref<256xf32, #tpu.memory_space<vmem>> -> memref<32xf32, #tpu.memory_space<vmem>>
      tpu.enqueue_dma source(%dma_start3A_278 : memref<32xf32, #tpu.memory_space<vmem>>) target(%dma_start3A_276 : memref<32xf32, #tpu.memory_space<hbm>>) target_semaphore(%run_scoped3A_270 : memref<!tpu.dma_semaphore, #tpu.memory_space<semaphore_mem>>)
      %dma_wait3A_279 = arith.constant 160 : i32
      %dma_wait3A_280 = tpu.memref_slice %arg7[%dma_wait3A_279] : memref<256xf32, #tpu.memory_space<vmem>> -> memref<32xf32, #tpu.memory_space<vmem>>
      %dma_wait3A_281 = tpu.memref_slice %arg4[%run_scoped3A_266, %mul3A_2] : memref<9x1024xf32, #tpu.memory_space<hbm>> -> memref<1x32xf32, #tpu.memory_space<hbm>>
      %dma_wait3A_282 = tpu.memref_squeeze %dma_wait3A_281 : memref<1x32xf32, #tpu.memory_space<hbm>> -> memref<32xf32, #tpu.memory_space<hbm>>
      %dma_wait3A_283 = tpu.memref_slice %arg4[%run_scoped3A_266, %mul3A_2] : memref<9x1024xf32, #tpu.memory_space<hbm>> -> memref<1x32xf32, #tpu.memory_space<hbm>>
      %dma_wait3A_284 = tpu.memref_squeeze %dma_wait3A_283 : memref<1x32xf32, #tpu.memory_space<hbm>> -> memref<32xf32, #tpu.memory_space<hbm>>
      %dma_wait3A_285 = arith.constant 160 : i32
      %dma_wait3A_286 = tpu.memref_slice %arg7[%dma_wait3A_285] : memref<256xf32, #tpu.memory_space<vmem>> -> memref<32xf32, #tpu.memory_space<vmem>>
      tpu.wait_dma2 semaphore(%run_scoped3A_270 : memref<!tpu.dma_semaphore, #tpu.memory_space<semaphore_mem>>) src(%dma_wait3A_286 : memref<32xf32, #tpu.memory_space<vmem>>) dst(%dma_wait3A_284 : memref<32xf32, #tpu.memory_space<hbm>>)
      tpu.yield
    }) : () -> ()
    %run_scoped3A_267 = arith.constant 6 : i32
    "tpu.region"() ({
      %run_scoped3A_270 = tpu.sem_alloc : memref<!tpu.dma_semaphore, #tpu.memory_space<semaphore_mem>>
      %dma_start3A_271 = arith.constant 192 : i32
      %dma_start3A_272 = tpu.memref_slice %arg7[%dma_start3A_271] : memref<256xf32, #tpu.memory_space<vmem>> -> memref<32xf32, #tpu.memory_space<vmem>>
      %dma_start3A_273 = tpu.memref_slice %arg4[%run_scoped3A_267, %mul3A_2] : memref<9x1024xf32, #tpu.memory_space<hbm>> -> memref<1x32xf32, #tpu.memory_space<hbm>>
      %dma_start3A_274 = tpu.memref_squeeze %dma_start3A_273 : memref<1x32xf32, #tpu.memory_space<hbm>> -> memref<32xf32, #tpu.memory_space<hbm>>
      %dma_start3A_275 = tpu.memref_slice %arg4[%run_scoped3A_267, %mul3A_2] : memref<9x1024xf32, #tpu.memory_space<hbm>> -> memref<1x32xf32, #tpu.memory_space<hbm>>
      %dma_start3A_276 = tpu.memref_squeeze %dma_start3A_275 : memref<1x32xf32, #tpu.memory_space<hbm>> -> memref<32xf32, #tpu.memory_space<hbm>>
      %dma_start3A_277 = arith.constant 192 : i32
      %dma_start3A_278 = tpu.memref_slice %arg7[%dma_start3A_277] : memref<256xf32, #tpu.memory_space<vmem>> -> memref<32xf32, #tpu.memory_space<vmem>>
      tpu.enqueue_dma source(%dma_start3A_278 : memref<32xf32, #tpu.memory_space<vmem>>) target(%dma_start3A_276 : memref<32xf32, #tpu.memory_space<hbm>>) target_semaphore(%run_scoped3A_270 : memref<!tpu.dma_semaphore, #tpu.memory_space<semaphore_mem>>)
      %dma_wait3A_279 = arith.constant 192 : i32
      %dma_wait3A_280 = tpu.memref_slice %arg7[%dma_wait3A_279] : memref<256xf32, #tpu.memory_space<vmem>> -> memref<32xf32, #tpu.memory_space<vmem>>
      %dma_wait3A_281 = tpu.memref_slice %arg4[%run_scoped3A_267, %mul3A_2] : memref<9x1024xf32, #tpu.memory_space<hbm>> -> memref<1x32xf32, #tpu.memory_space<hbm>>
      %dma_wait3A_282 = tpu.memref_squeeze %dma_wait3A_281 : memref<1x32xf32, #tpu.memory_space<hbm>> -> memref<32xf32, #tpu.memory_space<hbm>>
      %dma_wait3A_283 = tpu.memref_slice %arg4[%run_scoped3A_267, %mul3A_2] : memref<9x1024xf32, #tpu.memory_space<hbm>> -> memref<1x32xf32, #tpu.memory_space<hbm>>
      %dma_wait3A_284 = tpu.memref_squeeze %dma_wait3A_283 : memref<1x32xf32, #tpu.memory_space<hbm>> -> memref<32xf32, #tpu.memory_space<hbm>>
      %dma_wait3A_285 = arith.constant 192 : i32
      %dma_wait3A_286 = tpu.memref_slice %arg7[%dma_wait3A_285] : memref<256xf32, #tpu.memory_space<vmem>> -> memref<32xf32, #tpu.memory_space<vmem>>
      tpu.wait_dma2 semaphore(%run_scoped3A_270 : memref<!tpu.dma_semaphore, #tpu.memory_space<semaphore_mem>>) src(%dma_wait3A_286 : memref<32xf32, #tpu.memory_space<vmem>>) dst(%dma_wait3A_284 : memref<32xf32, #tpu.memory_space<hbm>>)
      tpu.yield
    }) : () -> ()
    %run_scoped3A_268 = arith.constant 7 : i32
    "tpu.region"() ({
      %run_scoped3A_270 = tpu.sem_alloc : memref<!tpu.dma_semaphore, #tpu.memory_space<semaphore_mem>>
      %dma_start3A_271 = arith.constant 224 : i32
      %dma_start3A_272 = tpu.memref_slice %arg7[%dma_start3A_271] : memref<256xf32, #tpu.memory_space<vmem>> -> memref<32xf32, #tpu.memory_space<vmem>>
      %dma_start3A_273 = tpu.memref_slice %arg4[%run_scoped3A_268, %mul3A_2] : memref<9x1024xf32, #tpu.memory_space<hbm>> -> memref<1x32xf32, #tpu.memory_space<hbm>>
      %dma_start3A_274 = tpu.memref_squeeze %dma_start3A_273 : memref<1x32xf32, #tpu.memory_space<hbm>> -> memref<32xf32, #tpu.memory_space<hbm>>
      %dma_start3A_275 = tpu.memref_slice %arg4[%run_scoped3A_268, %mul3A_2] : memref<9x1024xf32, #tpu.memory_space<hbm>> -> memref<1x32xf32, #tpu.memory_space<hbm>>
      %dma_start3A_276 = tpu.memref_squeeze %dma_start3A_275 : memref<1x32xf32, #tpu.memory_space<hbm>> -> memref<32xf32, #tpu.memory_space<hbm>>
      %dma_start3A_277 = arith.constant 224 : i32
      %dma_start3A_278 = tpu.memref_slice %arg7[%dma_start3A_277] : memref<256xf32, #tpu.memory_space<vmem>> -> memref<32xf32, #tpu.memory_space<vmem>>
      tpu.enqueue_dma source(%dma_start3A_278 : memref<32xf32, #tpu.memory_space<vmem>>) target(%dma_start3A_276 : memref<32xf32, #tpu.memory_space<hbm>>) target_semaphore(%run_scoped3A_270 : memref<!tpu.dma_semaphore, #tpu.memory_space<semaphore_mem>>)
      %dma_wait3A_279 = arith.constant 224 : i32
      %dma_wait3A_280 = tpu.memref_slice %arg7[%dma_wait3A_279] : memref<256xf32, #tpu.memory_space<vmem>> -> memref<32xf32, #tpu.memory_space<vmem>>
      %dma_wait3A_281 = tpu.memref_slice %arg4[%run_scoped3A_268, %mul3A_2] : memref<9x1024xf32, #tpu.memory_space<hbm>> -> memref<1x32xf32, #tpu.memory_space<hbm>>
      %dma_wait3A_282 = tpu.memref_squeeze %dma_wait3A_281 : memref<1x32xf32, #tpu.memory_space<hbm>> -> memref<32xf32, #tpu.memory_space<hbm>>
      %dma_wait3A_283 = tpu.memref_slice %arg4[%run_scoped3A_268, %mul3A_2] : memref<9x1024xf32, #tpu.memory_space<hbm>> -> memref<1x32xf32, #tpu.memory_space<hbm>>
      %dma_wait3A_284 = tpu.memref_squeeze %dma_wait3A_283 : memref<1x32xf32, #tpu.memory_space<hbm>> -> memref<32xf32, #tpu.memory_space<hbm>>
      %dma_wait3A_285 = arith.constant 224 : i32
      %dma_wait3A_286 = tpu.memref_slice %arg7[%dma_wait3A_285] : memref<256xf32, #tpu.memory_space<vmem>> -> memref<32xf32, #tpu.memory_space<vmem>>
      tpu.wait_dma2 semaphore(%run_scoped3A_270 : memref<!tpu.dma_semaphore, #tpu.memory_space<semaphore_mem>>) src(%dma_wait3A_286 : memref<32xf32, #tpu.memory_space<vmem>>) dst(%dma_wait3A_284 : memref<32xf32, #tpu.memory_space<hbm>>)
      tpu.yield
    }) : () -> ()
    %run_scoped3A_269 = arith.constant 8 : i32
    "tpu.region"() ({
      %run_scoped3A_270 = tpu.sem_alloc : memref<!tpu.dma_semaphore, #tpu.memory_space<semaphore_mem>>
      %dma_start3A_271 = tpu.memref_slice %arg4[%run_scoped3A_269, %mul3A_2] : memref<9x1024xf32, #tpu.memory_space<hbm>> -> memref<1x32xf32, #tpu.memory_space<hbm>>
      %dma_start3A_272 = tpu.memref_squeeze %dma_start3A_271 : memref<1x32xf32, #tpu.memory_space<hbm>> -> memref<32xf32, #tpu.memory_space<hbm>>
      %dma_start3A_273 = tpu.memref_slice %arg4[%run_scoped3A_269, %mul3A_2] : memref<9x1024xf32, #tpu.memory_space<hbm>> -> memref<1x32xf32, #tpu.memory_space<hbm>>
      %dma_start3A_274 = tpu.memref_squeeze %dma_start3A_273 : memref<1x32xf32, #tpu.memory_space<hbm>> -> memref<32xf32, #tpu.memory_space<hbm>>
      tpu.enqueue_dma source(%arg8 : memref<32xf32, #tpu.memory_space<vmem>>) target(%dma_start3A_274 : memref<32xf32, #tpu.memory_space<hbm>>) target_semaphore(%run_scoped3A_270 : memref<!tpu.dma_semaphore, #tpu.memory_space<semaphore_mem>>)
      %dma_wait3A_275 = tpu.memref_slice %arg4[%run_scoped3A_269, %mul3A_2] : memref<9x1024xf32, #tpu.memory_space<hbm>> -> memref<1x32xf32, #tpu.memory_space<hbm>>
      %dma_wait3A_276 = tpu.memref_squeeze %dma_wait3A_275 : memref<1x32xf32, #tpu.memory_space<hbm>> -> memref<32xf32, #tpu.memory_space<hbm>>
      %dma_wait3A_277 = tpu.memref_slice %arg4[%run_scoped3A_269, %mul3A_2] : memref<9x1024xf32, #tpu.memory_space<hbm>> -> memref<1x32xf32, #tpu.memory_space<hbm>>
      %dma_wait3A_278 = tpu.memref_squeeze %dma_wait3A_277 : memref<1x32xf32, #tpu.memory_space<hbm>> -> memref<32xf32, #tpu.memory_space<hbm>>
      tpu.wait_dma2 semaphore(%run_scoped3A_270 : memref<!tpu.dma_semaphore, #tpu.memory_space<semaphore_mem>>) src(%arg8 : memref<32xf32, #tpu.memory_space<vmem>>) dst(%dma_wait3A_278 : memref<32xf32, #tpu.memory_space<hbm>>)
      tpu.yield
    }) : () -> ()
    return
  }
}

module attributes {stable_mosaic.version = 14 : i64} {
  func.func @_mm_body(%arg0: i32, %arg1: memref<8x2048xf32, #tpu.memory_space<vmem>>, %arg2: memref<1x2048xf32, #tpu.memory_space<vmem>>, %arg3: memref<9x1024xf32, #tpu.memory_space<vmem>>, %arg4: memref<2048x1024xf32, #tpu.memory_space<vmem>>) attributes {dimension_semantics = [#tpu.dimension_semantics<arbitrary>], iteration_bounds = array<i64: 49>, scalar_prefetch = 0 : i64, scratch_operands = 0 : i64, tpu.core_type = #tpu.core_type<tc>, window_params = [{transform_indices = @transform_0, window_bounds = array<i64: 8, 2048>}, {transform_indices = @transform_1, window_bounds = array<i64: 1, 2048>}, {pipeline_mode = #tpu.pipeline_mode<synchronous>, transform_indices = @transform_2, window_bounds = array<i64: 9, 1024>}, {transform_indices = @transform_3, window_bounds = array<i64: 2048, 1024>}]} {
    %get3A = arith.constant 0 : index
    %get3A_0 = arith.constant 0 : index
    %get3A_1 = vector.load %arg1[%get3A, %get3A_0] : memref<8x2048xf32, #tpu.memory_space<vmem>>, vector<8x2048xf32>
    %get3A_2 = arith.constant 0 : index
    %get3A_3 = arith.constant 0 : index
    %get3A_4 = vector.load %arg2[%get3A_2, %get3A_3] : memref<1x2048xf32, #tpu.memory_space<vmem>>, vector<1x2048xf32>
    %concatenate3A = tpu.concatenate %get3A_1, %get3A_4 in 0 : vector<8x2048xf32>, vector<1x2048xf32> -> vector<9x2048xf32>
    %get3A_5 = arith.constant 0 : index
    %get3A_6 = arith.constant 0 : index
    %get3A_7 = vector.load %arg3[%get3A_5, %get3A_6] : memref<9x1024xf32, #tpu.memory_space<vmem>>, vector<9x1024xf32>
    %dot_general3A = arith.constant dense<0.000000e+00> : vector<2048x1024xf32>
    %dot_general3A_8 = tpu.matmul %concatenate3A, %get3A_7, %dot_general3A {dimension_numbers = #tpu.dot_dimension_numbers<[0], [0], [1], [1], [0, 1, 1, 1], [], []>, transpose_lhs_hint = false} : vector<9x2048xf32>, vector<9x1024xf32>, vector<2048x1024xf32> -> vector<2048x1024xf32>
    %swap3A = arith.constant 0 : index
    %swap3A_9 = arith.constant 0 : index
    %swap3A_10 = vector.load %arg4[%swap3A, %swap3A_9] : memref<2048x1024xf32, #tpu.memory_space<vmem>>, vector<2048x1024xf32>
    tpu.vector_store %arg4[%swap3A, %swap3A_9], %dot_general3A_8 {strides = array<i32>} : memref<2048x1024xf32, #tpu.memory_space<vmem>>, vector<2048x1024xf32>,
    return
  }
  func.func @transform_0(%arg0: i32) -> (i32, i32) {
    %c0_i32 = arith.constant 0 : i32
    %c0_i32_0 = arith.constant 0 : i32
    return %c0_i32, %arg0 : i32, i32
  }
  func.func @transform_1(%arg0: i32) -> (i32, i32) {
    %c0_i32 = arith.constant 0 : i32
    %c0_i32_0 = arith.constant 0 : i32
    return %c0_i32, %arg0 : i32, i32
  }
  func.func @transform_2(%arg0: i32) -> (i32, i32) {
    %c0_i32 = arith.constant 0 : i32
    %c0_i32_0 = arith.constant 0 : i32
    %c0_i32_1 = arith.constant 0 : i32
    return %c0_i32, %c0_i32_0 : i32, i32
  }
  func.func @transform_3(%arg0: i32) -> (i32, i32) {
    %c0_i32 = arith.constant 0 : i32
    %c0_i32_0 = arith.constant 0 : i32
    return %arg0, %c0_i32 : i32, i32
  }
}

</mosaic_0001>

<sc_bundles>
// kernel: kernel.4.cloned.1.call-start
scs
__scs_entry_jumppad:
0x0: {  	(pc) =	sbr.rel $0x88, $3  }
0x1: {  	(tag) =	ssettag $0x0;
	lr =	simm.s32 $0x1  }
0x2: {  	[smem:$0x3F9D] =	sst lr;
	_ =	strace $0xD0000000  }
0x3: {  	_ = 	snop  }
0x4: {  	_ = 	snop  }
0x5: {  	_ = 	snop  }
0x6: {  	_ = 	snop  }
0x7: {  	_ = 	snop  }
__scs_overlays_trampoline_lowered:
0x8: {  	[smem:$0x3FAC] =	sst s0  }
0x9: {  	[smem:$0x3FAD] =	sst s1  }
0xa: {  	[smem:$0x3FAE] =	sst s2  }
0xb: {  	[smem:$0x3FAF] =	sst s3  }
0xc: {  	[smem:$0x3FB0] =	sst s4  }
0xd: {  	[smem:$0x3FB1] =	sst s5  }
0xe: {  	[smem:$0x3FB2] =	sst s6  }
0xf: {  	[smem:$0x3FB3] =	sst s7  }
0x10: {  	[smem:$0x3FB4] =	sst s8  }
0x11: {  	[smem:$0x3FB5] =	sst s9;
	s0 =	simm.s32 @!p0 $0x0  }
0x12: {  	s1 =	sld [smem:$0x3F9B];
	s0 =	simm.s32 @p0 $0x1  }
0x13: {  	[smem:$0x3FB6] =	sst s0;
	s0 =	simm.s32 @!p1 $0x0  }
0x14: {  	s2 =	sld [smem:$0x3F9A];
	s0 =	simm.s32 @p1 $0x1  }
0x15: {  	[smem:$0x3FB7] =	sst s0;
	s0 =	simm.s32 @!p2 $0x0  }
0x16: {  	s3 =	sld [smem:$0x3FDB];
	s0 =	simm.s32 @p2 $0x1  }
0x17: {  	s4 =	simm.s32 $0x1BF5;
	[smem:$0x3FB9] =	sst s0  }
0x18: {  	s0 =	sld [smem:$0x3F9C];
	_ =	swait.ge [sflag:s4], $0x0  }
0x19: {  	s7 =	sld [smem:$0x3F9D]  }
0x1a: {  	s8 =	sadd.s32 $0xFFFFE003, lr  }
0x1b: {  	s9 =	sadd.s32 $0xFFFFFEF7, lr;
	s5 =	simm.s32 $0xFFFFFFFF;
	p2 =	slt.u32 s8, $0xFFFFF086  }
0x1c: {  	p1 =	slt.u32 s9, $0xF7A;
	s5 =	simm.s32 @!p2 $0x0  }
0x1d: {  	s5 =	simm.s32 @p1 $0x1;
	p0 =	seq.s32 s7, s2  }
0x1e: {  	s7 =	smul.u32 @!p0 $0xF7A, s2;
	p2 =	seq.s32 @!p0 s5, $0x0  }
0x1f: {  	s9 =	smul.u32 $0xF7A, s1;
	s8 =	simm.s32 @!p0 $0x1BF5;
	p2 =	por !p2, p0  }
0x20: {  	[sflag:s8] =	ssyncset.s32 @!p0 $0xFFFFF086;
	s6 =	sadd.s32 @!p0 s3, s7;
	s7 =	simm.s32 @!p0 $0x108  }
0x21: {  	s3 =	sadd.s32 s3, s9;
	s6 =	sadd.s32 @!p0 $0x88, s6;
	s7 =	simm.s32 @p2 $0x1082  }
0x22: {  	[simem:s7], [sflag:s8] =	dma.local @!p0 [hbm:s6], $0xF7A  }
0x23: {  	s9 =	sor.u32 $0xD0000000, s2;
	s6 =	simm.s32 $0x108;
	_ =	swait.ge @!p0 [sflag:s8], $0x0  }
0x24: {  	s3 =	sadd.s32 $0x88, s3;
	s6 =	simm.s32 @!p1 $0x1082;
	[sflag:s4] =	ssyncset.s32 $0xFFFFF086  }
0x25: {  	[simem:s6], [sflag:s4] =	dma.local [hbm:s3], $0xF7A  }
0x26: {  	[smem:$0x3F9D] =	sst s1;
	(tag) =	ssettag s2;
	_ =	strace s9  }
0x27: {  	s1 =	sld [smem:$0x3FAD]  }
0x28: {  	s2 =	sld [smem:$0x3FAE]  }
0x29: {  	s4 =	sld [smem:$0x3FB0]  }
0x2a: {  	p0 =	seq.s32 s5, $0x0;
	s5 =	sld [smem:$0x3FB1]  }
0x2b: {  	s6 =	sld [smem:$0x3FB2]  }
0x2c: {  	s7 =	sld [smem:$0x3FB3]  }
0x2d: {  	s3 =	simm.s32 $0x108;
	s8 =	sld [smem:$0x3FB4]  }
0x2e: {  	s3 =	simm.s32 @!p0 $0x1082;
	s9 =	sld [smem:$0x3FB5]  }
0x2f: {  	lr =	sadd.s32 s0, s3;
	s0 =	sld [smem:$0x3FAC]  }
0x30: {  	s3 =	sld [smem:$0x3FAF]  }
0x31: {  	[smem:$0x3FB8] =	sst s10  }
0x32: {  	s10 =	sld [smem:$0x3FB6];
	_ =	sdelay $0x3  }
0x33: {  	p0 =	seq.s32 s10, $0x1;
	s10 =	sld [smem:$0x3FB8];
	_ =	sdelay $0x3  }
0x34: {  	[smem:$0x3FB8] =	sst s10  }
0x35: {  	s10 =	sld [smem:$0x3FB7];
	_ =	sdelay $0x3  }
0x36: {  	p1 =	seq.s32 s10, $0x1;
	s10 =	sld [smem:$0x3FB8];
	_ =	sdelay $0x3  }
0x37: {  	[smem:$0x3FB8] =	sst s10  }
0x38: {  	s10 =	sld [smem:$0x3FB9]  }
0x39: {  	_ = 	snop;
	(pc) =	sbr.ind lr, $3  }
0x3a: {  	_ = 	snop  }
0x3b: {  	_ = 	snop  }
0x3c: {  	p2 =	seq.s32 s10, $0x1;
	s10 =	sld [smem:$0x3FB8]  }
0x3d: {  	_ =	shalt  }
0x3e: {  	_ =	shalt  }
0x3f: {  	_ =	shalt  }
0x40: {  	_ =	shalt  }
0x41: {  	_ =	shalt  }
0x42: {  	_ =	shalt  }
0x43: {  	_ =	shalt  }
0x44: {  	_ =	shalt  }
0x45: {  	_ =	shalt  }
0x46: {  	_ =	shalt  }
0x47: {  	_ =	shalt  }
0x48: {  	_ =	shalt  }
0x49: {  	_ =	shalt  }
0x4a: {  	_ =	shalt  }
0x4b: {  	_ =	shalt  }
0x4c: {  	_ =	shalt  }
0x4d: {  	_ =	shalt  }
0x4e: {  	_ =	shalt  }
0x4f: {  	_ =	shalt  }
0x50: {  	_ =	shalt  }
0x51: {  	_ =	shalt  }
0x52: {  	_ =	shalt  }
0x53: {  	_ =	shalt  }
0x54: {  	_ =	shalt  }
0x55: {  	_ =	shalt  }
0x56: {  	_ =	shalt  }
0x57: {  	_ =	shalt  }
0x58: {  	_ =	shalt  }
0x59: {  	_ =	shalt  }
0x5a: {  	_ =	shalt  }
0x5b: {  	_ =	shalt  }
0x5c: {  	_ =	shalt  }
0x5d: {  	_ =	shalt  }
0x5e: {  	_ =	shalt  }
0x5f: {  	_ =	shalt  }
0x60: {  	_ =	shalt  }
0x61: {  	_ =	shalt  }
0x62: {  	_ =	shalt  }
0x63: {  	_ =	shalt  }
0x64: {  	_ =	shalt  }
0x65: {  	_ =	shalt  }
0x66: {  	_ =	shalt  }
0x67: {  	_ =	shalt  }
0x68: {  	_ =	shalt  }
0x69: {  	_ =	shalt  }
0x6a: {  	_ =	shalt  }
0x6b: {  	_ =	shalt  }
0x6c: {  	_ =	shalt  }
0x6d: {  	_ =	shalt  }
0x6e: {  	_ =	shalt  }
0x6f: {  	_ =	shalt  }
0x70: {  	_ =	shalt  }
0x71: {  	_ =	shalt  }
0x72: {  	_ =	shalt  }
0x73: {  	_ =	shalt  }
0x74: {  	_ =	shalt  }
0x75: {  	_ =	shalt  }
0x76: {  	_ =	shalt  }
0x77: {  	_ =	shalt  }
0x78: {  	_ =	shalt  }
0x79: {  	_ =	shalt  }
0x7a: {  	_ =	shalt  }
0x7b: {  	_ =	shalt  }
0x7c: {  	_ =	shalt  }
0x7d: {  	_ =	shalt  }
0x7e: {  	_ =	shalt  }
0x7f: {  	_ =	shalt  }
0x80: {  	_ =	shalt  }
0x81: {  	_ =	shalt  }
0x82: {  	_ =	shalt  }
0x83: {  	_ =	shalt  }
0x84: {  	_ =	shalt  }
0x85: {  	_ =	shalt  }
0x86: {  	_ =	shalt  }
0x87: {  	_ =	shalt  }
.Lfunc_end0:
.L_simem_size_0:
called_computation_lowered:
.L_overlay_start_0:
0x88: {  	s2 =	sld [smem:$0x3FD9]  }
0x89: {  	s3 =	sld [smem:$0x3FFE];
	_ =	sdelay $0x1  }
0x8a: {  	s1 =	srdreg.scid  }
0x8b: {  	s0 =	sand.u32 $0x1, s1  }
0x8c: {  	s17 =	sshll.u32 s0, $0xA;
	s2 =	sadd.s32 s3, s2  }
0x8d: {  	s2 =	sadd.s32 s2, s17  }
0x8e: {  	[smem:$0x3FC4] =	sst s2  }
0x8f: {  	_ = 	snop  }
0x90: {  	s2 =	sld [smem:$0x3FC9]  }
0x91: {  	s18 =	sld [smem:$0x3FD0];
	(tm) =	ssettm $0x1  }
0x92: {  	s4 =	sld [smem:$0x3FFB];
	_ =	sdelay $0x3  }
0x93: {  	_ =	strace s4  }
0x94: {  	s4 =	sld [smem:$0x3FFC];
	_ =	sdelay $0x3  }
0x95: {  	_ =	strace s4  }
0x96: {  	s4 =	sld [smem:$0x3FFD];
	_ =	sdelay $0x3  }
0x97: {  	_ =	strace s4  }
0x98: {  	_ =	strace $0x8FFFFFFF  }
0x99: {  	s19 =	sld [smem:$0x3FDB];
	_ =	sdelay $0x1  }
0x9a: {  	s5 =	simm.s32 $_scs_section_size  }
0x9b: {  	s6 =	simm.s32 $_size__tile_overlayer_lowered;
	s7 =	simm.s32 $_tile_overlayer_lowered  }
0x9c: {  	s22 =	simm.s32 $0x1BFF;
	s21 =	sshll.u32 s7, $0x1;
	s4 =	sadd.s32 s5, s19  }
0x9d: {  	s8 =	simm.s32 $0x0;
	s20 =	sshll.u32 s6, $0x1;
	s6 =	sadd.s32 s21, s4  }
0x9e: {  	[timem:s8], [sflag:s22] =	dma.local [hbm:s6], s20  }
0x9f: {  	_ =	swait.ge [sflag:s22], s20  }
0xa0: {  	s5 =	ssub.s32 $0x0, s20;
	[sflag:s22] =	ssyncset.done $0x0  }
0xa1: {  	[sflag:s22] =	ssyncadd.s32 s5;
	_ =	sdelay $0x1  }
0xa2: {  	s23 =	simm.s32 $0x1B8B  }
0xa3: {  	_ =	swait.ge [sflag:s23], $0x1  }
0xa4: {  	[sflag:s23] =	ssyncset.done $0x0  }
0xa5: {  	s25 =	simm.s32 $0x1B8E;
	s24 =	sld [smem:$0x3FFE];
	[sflag:s23] =	ssyncadd.s32 $0xFFFFFFFF  }
0xa6: {  	s26 =	simm.s32 $execute0_lowered;
	[smem:$0x3FD2] =	sst s25  }
0xa7: {  	s6 =	sshll.u32 s26, $0x1;
	_ =	strace $0x80000046;
	[dreg:$0x1] =	wrdreg $0xFFFFFFFF  }
0xa8: {  	s28 =	simm.s32 $_size_execute0_lowered;
	s4 =	sadd.s32 s4, s6;
	[dreg:$0x0] =	wrdreg $0x0  }
0xa9: {  	s6 =	sshll.u32 s28, $0x1;
	[dreg:$0x2] =	wrdreg s4  }
0xaa: {  	[dreg:$0x3] =	wrdreg s6  }
0xab: {  	[dreg:$0x4] =	wrdreg $0xC0  }
0xac: {  	_ =	task [dreg:s8], $0x5FFFF  }
0xad: {  	[dreg:$0x1] =	wrdreg $0xFFFFFFFF  }
0xae: {  	[dreg:$0x0] =	wrdreg $0x60  }
0xaf: {  	[dreg:$0x2] =	wrdreg s18  }
0xb0: {  	[dreg:$0x3] =	wrdreg s2  }
0xb1: {  	[dreg:$0x4] =	wrdreg s24  }
0xb2: {  	[dreg:$0x5] =	wrdreg $0x9  }
0xb3: {  	_ =	task.clear_ibuf [dreg:s8], $0x6FFFF;
	_ =	strace $0x90000046  }
0xb4: {  	s29 =	simm.s32 $0x9;
	_ =	strace $0x80000048  }
0xb5: {  	_ =	swait.ge [sflag:s29], $0x1  }
0xb6: {  	[sflag:s29] =	ssyncadd.s32 $0xFFFFFFFF  }
0xb7: {  	_ =	strace $0x90000048  }
0xb8: {  	_ =	sfence  }
0xb9: {  	s30 =	sld [smem:$0x0];
	_ =	sdelay $0x2  }
0xba: {  	s31 =	sshll.u32 s1, $0xD;
	s1 =	sshrl.u32 s1, $0x2  }
0xbb: {  	s3 =	sand.u32 $0x4000, s31;
	s1 =	sadd.s32 s1, s30  }
0xbc: {  	s0 =	sor.u32 s3, s0;
	s1 =	sshll.u32 s1, $0x11  }
0xbd: {  	s0 =	sor.u32 s1, s0  }
0xbe: {  	s0 =	sadd.s32 $0x8F2B, s0  }
0xbf: {  	[sflag:s0] =	ssyncadd.remote.s32 $0x1  }
0xc0: {  	_ =	sfence.sel $0xFFFF  }
0xc1: {  	[dreg:$0x0] =	wrdreg $0xFFFFFFFF;
	(pc) =	sbr.abs _section_cstart, $3  }
0xc2: {  	[dreg:$0x1] =	wrdreg $0xFFFFFFFF  }
0xc3: {  	_ =	task.clear_ibuf [dreg:s8], $0x2FFFF;
	_ =	strace $0x9FFFFFFF  }
0xc4: {  	(tm) =	ssettm $0x7FFFFFFF  }
0xc5: {  	_ =	shalt  }
tec
execute0_lowered:
.L_overlay_start_1:
0x0: {  	(tag) =	ssettag $0x1  }
0x1: {  	s2 =	rddreg [dreg:$0x0]  }
0x2: {  	s4 =	rddreg [dreg:$0x1]  }
0x3: {  	s10 =	rddreg [dreg:$0x2];
	s3 =	srdreg.scid  }
0x4: {  	s0 =	rddreg [dreg:$0x3];
	s1 =	stileid.u32;
	s23 =	sand.u32 $0x1, s3  }
0x5: {  	s3 =	simm.s32 $0x0;
	s5 =	sshll.u32 s1, $0x3;
	s6 =	sshll.u32 s23, $0x2  }
0x6: {  	[smem:$0x7FF] =	sst s3;
	s11 =	sor.u32 s6, s5  }
0x7: {  	_ =	strace $0x80000047;
	s5 =	sadd.s32 s4, s11;
	s4 =	simm.s32 $0x2  }
0x8: {  	[tilespmem:s3], [sflag:$0x2] =	stream.linear.gather [hbm4b:s5+s3], $0x20, $0x38;
	[tilespmem:$0x240] =	vst v63  }
0x9: {  	v0 =	vlaneseq.u32;
	_ =	swait.ge [sflag:s4], $0x20  }
0xa: {  	[sflag:s4] =	ssyncset.done $0x0  }
0xb: {  	v1 =	vimm.f32 $1.000000000e+00;
	[sflag:s4] =	ssyncadd.s32 $0xFFFFFFE0  }
0xc: {  	[tilespmem:$0x220] =	vst v1  }
0xd: {  	[tilespmem:$0x230] =	vst v1  }
0xe: {  	v3 =	vld.idx.msk [tilespmem:v0+s3+$0x0], $0xffff  }
0xf: {  	v2 =	vor.u32 $0x10, v0;
	_ =	sdelay $0x3  }
0x10: {  	[tilespmem:$0x20] =	vst v3  }
0x11: {  	v3 =	vld.idx.msk [tilespmem:v2+s3+$0x0], $0xffff;
	_ =	sdelay $0x4  }
0x12: {  	[tilespmem:$0x30] =	vst v3  }
0x13: {  	v3 =	vld.idx.msk [tilespmem:v0+s3+$0x0], $0xffff;
	_ =	sdelay $0x4  }
0x14: {  	v3 =	vadd.s32 $0x186A0, v3  }
0x15: {  	[tilespmem:$0x40] =	vst v3  }
0x16: {  	v3 =	vld.idx.msk [tilespmem:v2+s3+$0x0], $0xffff;
	_ =	sdelay $0x4  }
0x17: {  	v3 =	vadd.s32 $0x186A0, v3  }
0x18: {  	[tilespmem:$0x50] =	vst v3  }
0x19: {  	v3 =	vld.idx.msk [tilespmem:v0+s3+$0x0], $0xffff;
	_ =	sdelay $0x4  }
0x1a: {  	v3 =	vadd.s32 $0x30D40, v3  }
0x1b: {  	[tilespmem:$0x60] =	vst v3  }
0x1c: {  	v3 =	vld.idx.msk [tilespmem:v2+s3+$0x0], $0xffff;
	_ =	sdelay $0x4  }
0x1d: {  	v3 =	vadd.s32 $0x30D40, v3  }
0x1e: {  	[tilespmem:$0x70] =	vst v3  }
0x1f: {  	v3 =	vld.idx.msk [tilespmem:v0+s3+$0x0], $0xffff;
	_ =	sdelay $0x4  }
0x20: {  	v3 =	vadd.s32 $0x493E0, v3  }
0x21: {  	[tilespmem:$0x80] =	vst v3  }
0x22: {  	v3 =	vld.idx.msk [tilespmem:v2+s3+$0x0], $0xffff;
	_ =	sdelay $0x4  }
0x23: {  	v3 =	vadd.s32 $0x493E0, v3  }
0x24: {  	[tilespmem:$0x90] =	vst v3  }
0x25: {  	v3 =	vld.idx.msk [tilespmem:v0+s3+$0x0], $0xffff;
	_ =	sdelay $0x4  }
0x26: {  	v3 =	vadd.s32 $0x61A80, v3  }
0x27: {  	[tilespmem:$0xA0] =	vst v3  }
0x28: {  	v3 =	vld.idx.msk [tilespmem:v2+s3+$0x0], $0xffff;
	_ =	sdelay $0x4  }
0x29: {  	v3 =	vadd.s32 $0x61A80, v3  }
0x2a: {  	[tilespmem:$0xB0] =	vst v3  }
0x2b: {  	v3 =	vld.idx.msk [tilespmem:v0+s3+$0x0], $0xffff;
	_ =	sdelay $0x4  }
0x2c: {  	v3 =	vadd.s32 $0x7A120, v3  }
0x2d: {  	[tilespmem:$0xC0] =	vst v3  }
0x2e: {  	v3 =	vld.idx.msk [tilespmem:v2+s3+$0x0], $0xffff;
	_ =	sdelay $0x4  }
0x2f: {  	v3 =	vadd.s32 $0x7A120, v3  }
0x30: {  	[tilespmem:$0xD0] =	vst v3  }
0x31: {  	v3 =	vld.idx.msk [tilespmem:v0+s3+$0x0], $0xffff;
	_ =	sdelay $0x4  }
0x32: {  	v3 =	vadd.s32 $0x927C0, v3  }
0x33: {  	[tilespmem:$0xE0] =	vst v3  }
0x34: {  	v3 =	vld.idx.msk [tilespmem:v2+s3+$0x0], $0xffff;
	_ =	sdelay $0x4  }
0x35: {  	v3 =	vadd.s32 $0x927C0, v3  }
0x36: {  	[tilespmem:$0xF0] =	vst v3  }
0x37: {  	v3 =	vld.idx.msk [tilespmem:v0+s3+$0x0], $0xffff;
	_ =	sdelay $0x4  }
0x38: {  	v3 =	vadd.s32 $0xAAE60, v3  }
0x39: {  	[tilespmem:$0x100] =	vst v3  }
0x3a: {  	v3 =	vld.idx.msk [tilespmem:v2+s3+$0x0], $0xffff;
	_ =	sdelay $0x4  }
0x3b: {  	s7 =	simm.s32 $0x20;
	v3 =	vadd.s32 $0xAAE60, v3  }
0x3c: {  	s8 =	simm.s32 $0x120;
	s9 =	simm.s32 $0x1;
	s6 =	simm.s32 $0x100;
	[tilespmem:$0x110] =	vst v3  }
0x3d: {  	[tilespmem:s8], [sflag:$0x1] =	stream.indirect.gather [hbm4b:s2+s6], $0x1, s7, s6, $0xb8;
	[tilespmem:$0x240] =	vst v63  }
0x3e: {  	_ =	swait.ge [sflag:s9], $0x100  }
0x3f: {  	s25 =	sadd.s32 s11, s10;
	[sflag:s9] =	ssyncset.done $0x0  }
0x40: {  	s10 =	sadd.s32 $0x800, s25;
	[sflag:s9] =	ssyncadd.s32 $0xFFFFFF00  }
0x41: {  	[hbm4b:s10+s3] =	stream.linear.scatter [tilespmem:s8], [sflag:$0x2], $0x20, $0x38;
	[tilespmem:$0x240] =	vst v63  }
0x42: {  	_ =	swait.ge [sflag:s4], $0x20  }
0x43: {  	[sflag:s4] =	ssyncset.done $0x0  }
0x44: {  	s12 =	simm.s32 $0x140;
	s11 =	sadd.s32 $0x880, s25;
	[sflag:s4] =	ssyncadd.s32 $0xFFFFFFE0  }
0x45: {  	[hbm4b:s11+s3] =	stream.linear.scatter [tilespmem:s12], [sflag:$0x2], $0x20, $0x38;
	[tilespmem:$0x240] =	vst v63  }
0x46: {  	_ =	swait.ge [sflag:s4], $0x20  }
0x47: {  	[sflag:s4] =	ssyncset.done $0x0  }
0x48: {  	s14 =	simm.s32 $0x160;
	s13 =	sadd.s32 $0x900, s25;
	[sflag:s4] =	ssyncadd.s32 $0xFFFFFFE0  }
0x49: {  	[hbm4b:s13+s3] =	stream.linear.scatter [tilespmem:s14], [sflag:$0x2], $0x20, $0x38;
	[tilespmem:$0x240] =	vst v63  }
0x4a: {  	_ =	swait.ge [sflag:s4], $0x20  }
0x4b: {  	[sflag:s4] =	ssyncset.done $0x0  }
0x4c: {  	s16 =	simm.s32 $0x180;
	s15 =	sadd.s32 $0x980, s25;
	[sflag:s4] =	ssyncadd.s32 $0xFFFFFFE0  }
0x4d: {  	[hbm4b:s15+s3] =	stream.linear.scatter [tilespmem:s16], [sflag:$0x2], $0x20, $0x38;
	[tilespmem:$0x240] =	vst v63  }
0x4e: {  	_ =	swait.ge [sflag:s4], $0x20  }
0x4f: {  	[sflag:s4] =	ssyncset.done $0x0  }
0x50: {  	s18 =	simm.s32 $0x1A0;
	s17 =	sadd.s32 $0xA00, s25;
	[sflag:s4] =	ssyncadd.s32 $0xFFFFFFE0  }
0x51: {  	[hbm4b:s17+s3] =	stream.linear.scatter [tilespmem:s18], [sflag:$0x2], $0x20, $0x38;
	[tilespmem:$0x240] =	vst v63  }
0x52: {  	_ =	swait.ge [sflag:s4], $0x20  }
0x53: {  	[sflag:s4] =	ssyncset.done $0x0  }
0x54: {  	s20 =	simm.s32 $0x1C0;
	s19 =	sadd.s32 $0xA80, s25;
	[sflag:s4] =	ssyncadd.s32 $0xFFFFFFE0  }
0x55: {  	[hbm4b:s19+s3] =	stream.linear.scatter [tilespmem:s20], [sflag:$0x2], $0x20, $0x38;
	[tilespmem:$0x240] =	vst v63  }
0x56: {  	_ =	swait.ge [sflag:s4], $0x20  }
0x57: {  	s22 =	simm.s32 $0x1E0;
	s26 =	ssub.s32 $0x2, s23;
	[sflag:s4] =	ssyncset.done $0x0  }
0x58: {  	s28 =	sshrl.u32 s26, $0x1;
	s21 =	sadd.s32 $0xB00, s25;
	[sflag:s4] =	ssyncadd.s32 $0xFFFFFFE0  }
0x59: {  	[hbm4b:s21+s3] =	stream.linear.scatter [tilespmem:s22], [sflag:$0x2], $0x20, $0x38;
	[tilespmem:$0x240] =	vst v63  }
0x5a: {  	s26 =	ssub.s32 s26, s28;
	_ =	swait.ge [sflag:s4], $0x20  }
0x5b: {  	s24 =	simm.s32 $0x200;
	s28 =	smax.u32 s26, $0x1;
	[sflag:s4] =	ssyncset.done $0x0  }
0x5c: {  	s23 =	sadd.s32 $0xB80, s25;
	p0 =	sne.s32 s28, $0x1;
	[sflag:s4] =	ssyncadd.s32 $0xFFFFFFE0  }
0x5d: {  	[hbm4b:s23+s3] =	stream.linear.scatter [tilespmem:s24], [sflag:$0x2], $0x20, $0x38;
	[tilespmem:$0x240] =	vst v63  }
.Ltmp0:
0x5e: {  	_ =	swait.ge [sflag:s4], $0x20;
	(pc) =	sbr.rel @!p0 .LBB2_2-.Ltmp0, $4  }
0x5f: {  	[sflag:s4] =	ssyncset.done $0x0  }
0x60: {  	s25 =	sadd.s32 $0xC00, s25;
	s26 =	simm.s32 $0x220;
	[sflag:s4] =	ssyncadd.s32 $0xFFFFFFE0  }
0x61: {  	[hbm4b:s25+s3] =	stream.linear.scatter [tilespmem:s26], [sflag:$0x2], $0x20, $0x38;
	[tilespmem:$0x240] =	vst v63  }
0x62: {  	s28 =	sadd.s32 $0xFFFFFFFF, s28;
	_ =	swait.ge [sflag:s4], $0x20  }
.LBB2_1:
0x63: {  	p0 =	sne.s32 s28, $0x1;
	s28 =	sadd.s32 $0xFFFFFFFF, s28;
	[sflag:s4] =	ssyncset.done $0x0  }
0x64: {  	[sflag:s4] =	ssyncadd.s32 $0xFFFFFFE0  }
0x65: {  	[tilespmem:s3], [sflag:$0x2] =	stream.linear.gather [hbm4b:s5+s3], $0x20, $0x38;
	[tilespmem:$0x240] =	vst v63  }
0x66: {  	_ =	swait.ge [sflag:s4], $0x20  }
0x67: {  	[sflag:s4] =	ssyncset.done $0x0  }
0x68: {  	[sflag:s4] =	ssyncadd.s32 $0xFFFFFFE0  }
0x69: {  	[tilespmem:$0x220] =	vst v1  }
0x6a: {  	[tilespmem:$0x230] =	vst v1  }
0x6b: {  	v3 =	vld.idx.msk [tilespmem:v0+s3+$0x0], $0xffff;
	_ =	sdelay $0x5  }
0x6c: {  	[tilespmem:$0x20] =	vst v3  }
0x6d: {  	v3 =	vld.idx.msk [tilespmem:v2+s3+$0x0], $0xffff;
	_ =	sdelay $0x5  }
0x6e: {  	[tilespmem:$0x30] =	vst v3  }
0x6f: {  	v3 =	vld.idx.msk [tilespmem:v0+s3+$0x0], $0xffff;
	_ =	sdelay $0x5  }
0x70: {  	v3 =	vadd.s32 $0x186A0, v3  }
0x71: {  	[tilespmem:$0x40] =	vst v3  }
0x72: {  	v3 =	vld.idx.msk [tilespmem:v2+s3+$0x0], $0xffff;
	_ =	sdelay $0x5  }
0x73: {  	v3 =	vadd.s32 $0x186A0, v3  }
0x74: {  	[tilespmem:$0x50] =	vst v3  }
0x75: {  	v3 =	vld.idx.msk [tilespmem:v0+s3+$0x0], $0xffff;
	_ =	sdelay $0x5  }
0x76: {  	v3 =	vadd.s32 $0x30D40, v3  }
0x77: {  	[tilespmem:$0x60] =	vst v3  }
0x78: {  	v3 =	vld.idx.msk [tilespmem:v2+s3+$0x0], $0xffff;
	_ =	sdelay $0x5  }
0x79: {  	v3 =	vadd.s32 $0x30D40, v3  }
0x7a: {  	[tilespmem:$0x70] =	vst v3  }
0x7b: {  	v3 =	vld.idx.msk [tilespmem:v0+s3+$0x0], $0xffff;
	_ =	sdelay $0x5  }
0x7c: {  	v3 =	vadd.s32 $0x493E0, v3  }
0x7d: {  	[tilespmem:$0x80] =	vst v3  }
0x7e: {  	v3 =	vld.idx.msk [tilespmem:v2+s3+$0x0], $0xffff;
	_ =	sdelay $0x5  }
0x7f: {  	v3 =	vadd.s32 $0x493E0, v3  }
0x80: {  	[tilespmem:$0x90] =	vst v3  }
0x81: {  	v3 =	vld.idx.msk [tilespmem:v0+s3+$0x0], $0xffff;
	_ =	sdelay $0x5  }
0x82: {  	v3 =	vadd.s32 $0x61A80, v3  }
0x83: {  	[tilespmem:$0xA0] =	vst v3  }
0x84: {  	v3 =	vld.idx.msk [tilespmem:v2+s3+$0x0], $0xffff;
	_ =	sdelay $0x5  }
0x85: {  	v3 =	vadd.s32 $0x61A80, v3  }
0x86: {  	[tilespmem:$0xB0] =	vst v3  }
0x87: {  	v3 =	vld.idx.msk [tilespmem:v0+s3+$0x0], $0xffff;
	_ =	sdelay $0x5  }
0x88: {  	v3 =	vadd.s32 $0x7A120, v3  }
0x89: {  	[tilespmem:$0xC0] =	vst v3  }
0x8a: {  	v3 =	vld.idx.msk [tilespmem:v2+s3+$0x0], $0xffff;
	_ =	sdelay $0x5  }
0x8b: {  	v3 =	vadd.s32 $0x7A120, v3  }
0x8c: {  	[tilespmem:$0xD0] =	vst v3  }
0x8d: {  	v3 =	vld.idx.msk [tilespmem:v0+s3+$0x0], $0xffff;
	_ =	sdelay $0x5  }
0x8e: {  	v3 =	vadd.s32 $0x927C0, v3  }
0x8f: {  	[tilespmem:$0xE0] =	vst v3  }
0x90: {  	v3 =	vld.idx.msk [tilespmem:v2+s3+$0x0], $0xffff;
	_ =	sdelay $0x5  }
0x91: {  	v3 =	vadd.s32 $0x927C0, v3  }
0x92: {  	[tilespmem:$0xF0] =	vst v3  }
0x93: {  	v3 =	vld.idx.msk [tilespmem:v0+s3+$0x0], $0xffff;
	_ =	sdelay $0x5  }
0x94: {  	v3 =	vadd.s32 $0xAAE60, v3  }
0x95: {  	[tilespmem:$0x100] =	vst v3  }
0x96: {  	v3 =	vld.idx.msk [tilespmem:v2+s3+$0x0], $0xffff;
	_ =	sdelay $0x5  }
0x97: {  	v3 =	vadd.s32 $0xAAE60, v3  }
0x98: {  	[tilespmem:$0x110] =	vst v3  }
0x99: {  	[tilespmem:s8], [sflag:$0x1] =	stream.indirect.gather [hbm4b:s2+s6], $0x1, s7, s6, $0xb8;
	[tilespmem:$0x240] =	vst v63  }
0x9a: {  	_ =	swait.ge [sflag:s9], $0x100  }
0x9b: {  	[sflag:s9] =	ssyncset.done $0x0  }
0x9c: {  	[sflag:s9] =	ssyncadd.s32 $0xFFFFFF00  }
0x9d: {  	[hbm4b:s10+s3] =	stream.linear.scatter [tilespmem:s8], [sflag:$0x2], $0x20, $0x38;
	[tilespmem:$0x240] =	vst v63  }
0x9e: {  	_ =	swait.ge [sflag:s4], $0x20  }
0x9f: {  	[sflag:s4] =	ssyncset.done $0x0  }
0xa0: {  	[sflag:s4] =	ssyncadd.s32 $0xFFFFFFE0  }
0xa1: {  	[hbm4b:s11+s3] =	stream.linear.scatter [tilespmem:s12], [sflag:$0x2], $0x20, $0x38;
	[tilespmem:$0x240] =	vst v63  }
0xa2: {  	_ =	swait.ge [sflag:s4], $0x20  }
0xa3: {  	[sflag:s4] =	ssyncset.done $0x0  }
0xa4: {  	[sflag:s4] =	ssyncadd.s32 $0xFFFFFFE0  }
0xa5: {  	[hbm4b:s13+s3] =	stream.linear.scatter [tilespmem:s14], [sflag:$0x2], $0x20, $0x38;
	[tilespmem:$0x240] =	vst v63  }
0xa6: {  	_ =	swait.ge [sflag:s4], $0x20  }
0xa7: {  	[sflag:s4] =	ssyncset.done $0x0  }
0xa8: {  	[sflag:s4] =	ssyncadd.s32 $0xFFFFFFE0  }
0xa9: {  	[hbm4b:s15+s3] =	stream.linear.scatter [tilespmem:s16], [sflag:$0x2], $0x20, $0x38;
	[tilespmem:$0x240] =	vst v63  }
0xaa: {  	_ =	swait.ge [sflag:s4], $0x20  }
0xab: {  	[sflag:s4] =	ssyncset.done $0x0  }
0xac: {  	[sflag:s4] =	ssyncadd.s32 $0xFFFFFFE0  }
0xad: {  	[hbm4b:s17+s3] =	stream.linear.scatter [tilespmem:s18], [sflag:$0x2], $0x20, $0x38;
	[tilespmem:$0x240] =	vst v63  }
0xae: {  	_ =	swait.ge [sflag:s4], $0x20  }
0xaf: {  	[sflag:s4] =	ssyncset.done $0x0  }
0xb0: {  	[sflag:s4] =	ssyncadd.s32 $0xFFFFFFE0  }
0xb1: {  	[hbm4b:s19+s3] =	stream.linear.scatter [tilespmem:s20], [sflag:$0x2], $0x20, $0x38;
	[tilespmem:$0x240] =	vst v63  }
0xb2: {  	_ =	swait.ge [sflag:s4], $0x20  }
0xb3: {  	[sflag:s4] =	ssyncset.done $0x0  }
0xb4: {  	[sflag:s4] =	ssyncadd.s32 $0xFFFFFFE0  }
0xb5: {  	[hbm4b:s21+s3] =	stream.linear.scatter [tilespmem:s22], [sflag:$0x2], $0x20, $0x38;
	[tilespmem:$0x240] =	vst v63  }
0xb6: {  	_ =	swait.ge [sflag:s4], $0x20  }
0xb7: {  	[sflag:s4] =	ssyncset.done $0x0  }
0xb8: {  	[sflag:s4] =	ssyncadd.s32 $0xFFFFFFE0  }
0xb9: {  	[hbm4b:s23+s3] =	stream.linear.scatter [tilespmem:s24], [sflag:$0x2], $0x20, $0x38;
	[tilespmem:$0x240] =	vst v63  }
.Ltmp1:
0xba: {  	_ =	swait.ge [sflag:s4], $0x20;
	(pc) =	sbr.rel @p0 .LBB2_1-.Ltmp1, $4  }
0xbb: {  	[sflag:s4] =	ssyncset.done $0x0  }
0xbc: {  	[sflag:s4] =	ssyncadd.s32 $0xFFFFFFE0  }
0xbd: {  	[hbm4b:s25+s3] =	stream.linear.scatter [tilespmem:s26], [sflag:$0x2], $0x20, $0x38;
	[tilespmem:$0x240] =	vst v63  }
0xbe: {  	_ =	swait.ge [sflag:s4], $0x20  }
.LBB2_2:
0xbf: {  	[sflag:s4] =	ssyncset.done $0x0  }
0xc0: {  	[sflag:s4] =	ssyncadd.s32 $0xFFFFFFE0  }
0xc1: {  	_ =	sfence.sel $0x180000  }
0xc2: {  	[bflag:$0x0] =	sbarrier.arrive $0xFFFF  }
0xc3: {  	p0 =	sne.s32 s1, $0x0;
	_ =	strace $0x90000047  }
0xc4: {  	s0 =	sadd.s32 @!p0 $0x100000, s0;
	[bflag:$0x2] =	sbarrier.arrive $0xFFFF  }
0xc5: {  	[sflag:s0] =	ssyncadd.tile.s32 @!p0 $0x1;
	_ =	shalt  }
.Lfunc_end2:
_tile_overlayer_lowered:
.L_overlay_start_2:
0xc6: {  	(tag) =	ssettag $0x2  }
0xc7: {  	s0 =	rddreg [dreg:$0x0];
	s2 =	stileid.u32  }
0xc8: {  	s1 =	rddreg [dreg:$0x1];
	p0 =	sne.s32 s2, $0x0  }
0xc9: {  	s3 =	rddreg [dreg:$0x2];
	[bflag:$0x3] =	sbarrier.arrive $0xFFFF;
	s2 =	simm.s32 @!p0 $0x1C02  }
0xca: {  	[timem:s3], [sflag:s2] =	dma.local @!p0 [hbm:s0], s1  }
0xcb: {  	s0 =	simm.s32 @!p0 $0x2  }
0xcc: {  	_ =	swait.ge @!p0 [sflag:s0], s1  }
0xcd: {  	s1 =	ssub.s32 @!p0 $0x0, s1;
	[sflag:s0] =	ssyncset.done @!p0 $0x0  }
0xce: {  	[sflag:s0] =	ssyncadd.s32 @!p0 s1  }
0xcf: {  	[bflag:$0x3] =	sbarrier.arrive $0xFFFF  }
0xd0: {  	_ =	shalt  }

</sc_bundles>
